<compile_context>
chip_gen: v7x
topology: tpu7x:2x2x1
jax: 0.10.2.dev20260603
libtpu: 0.0.44.dev20260713+nightly
codegen_flags: <defaults>
</compile_context>

<pallas_src>
import functools

import jax
import jax.numpy as jnp
from jax import lax
from jax.experimental import pallas as pl
from jax.experimental.pallas import tpu as pltpu
from jax.experimental.pallas import tpu_sc as plsc

N = 10000
D = 128
E = 320000
ALPHA = 0.2

NC = 2
NS = 16
NW = NC * NS
EPW = E // NW
C = 80
NCH = EPW // C
OCHK = 80
NOCHK = N // OCHK

ROW_BLK = 1000


def _prep_body(x_ref, w_ref, b_ref, a1_ref, a2_ref, feat_ref, s1_ref, s2_ref):
    feat = jnp.dot(x_ref[...], w_ref[...], preferred_element_type=jnp.float32)
    feat = feat + b_ref[...]
    feat_ref[...] = feat
    s1_ref[...] = jnp.dot(feat, a1_ref[...], preferred_element_type=jnp.float32)
    s2_ref[...] = jnp.dot(feat, a2_ref[...], preferred_element_type=jnp.float32)


def _prep(x, w, b2d, a1p, a2p):
    grid = N // ROW_BLK
    return pl.pallas_call(
        _prep_body,
        grid=(grid,),
        in_specs=[
            pl.BlockSpec((ROW_BLK, D), lambda i: (i, 0)),
            pl.BlockSpec((D, D), lambda i: (0, 0)),
            pl.BlockSpec((1, D), lambda i: (0, 0)),
            pl.BlockSpec((D, 16), lambda i: (0, 0)),
            pl.BlockSpec((D, 16), lambda i: (0, 0)),
        ],
        out_specs=[
            pl.BlockSpec((ROW_BLK, D), lambda i: (i, 0)),
            pl.BlockSpec((ROW_BLK, 16), lambda i: (i, 0)),
            pl.BlockSpec((ROW_BLK, 16), lambda i: (i, 0)),
        ],
        out_shape=[
            jax.ShapeDtypeStruct((N, D), jnp.float32),
            jax.ShapeDtypeStruct((N, 16), jnp.float32),
            jax.ShapeDtypeStruct((N, 16), jnp.float32),
        ],
    )(x, w, b2d, a1p, a2p)


def _edge_body(src_hbm, dst_hbm, feat_hbm, s1_hbm, s2_hbm, out_hbm,
               acc, srcs_v, dsts_v, rows_v, s1_v, s2_v,
               sem_g, sem_s):
    cid = lax.axis_index("c")
    sid = lax.axis_index("s")
    wid = cid * NS + sid

    zero16 = jnp.zeros((16,), jnp.float32)

    def zbody(e, carry):
        for dd in range(D // 16):
            rows_v[0][e, pl.ds(dd * 16, 16)] = zero16
        return carry
    lax.fori_loop(0, C, zbody, 0)

    for k in range((NOCHK + NS - 1) // NS):
        ch = k * NS + sid

        @pl.when(ch < NOCHK)
        def _():
            pltpu.sync_copy(rows_v[0], acc.at[pl.ds(ch * OCHK, OCHK)])

    pltpu.sync_copy(src_hbm.at[pl.ds(wid * NCH, NCH)], srcs_v)
    pltpu.sync_copy(dst_hbm.at[pl.ds(wid * NCH, NCH)], dsts_v)

    def issue_gathers(n, p):
        pltpu.async_copy(feat_hbm.at[dsts_v.at[n]], rows_v[p], sem_g[p])
        pltpu.async_copy(s1_hbm.at[srcs_v.at[n]], s1_v[p], sem_g[p])
        pltpu.async_copy(s2_hbm.at[dsts_v.at[n]], s2_v[p], sem_g[p])

    def wait_gathers(n, p):
        pltpu.make_async_copy(feat_hbm.at[dsts_v.at[n]], rows_v[p], sem_g[p]).wait()
        pltpu.make_async_copy(s1_hbm.at[srcs_v.at[n]], s1_v[p], sem_g[p]).wait()
        pltpu.make_async_copy(s2_hbm.at[dsts_v.at[n]], s2_v[p], sem_g[p]).wait()

    def issue_scatter(n, p):
        pltpu.async_copy(rows_v[p], acc.at[srcs_v.at[n]], sem_s[p], add=True)

    def wait_scatter(n, p):
        pltpu.make_async_copy(rows_v[p], acc.at[srcs_v.at[n]], sem_s[p]).wait()

    def compute(p):
        def grp(e, c2):
            t16 = s1_v[p][e, pl.ds(0, 16)] + s2_v[p][e, pl.ds(0, 16)]
            v16 = jnp.where(t16 > 0.0, t16, t16 * ALPHA)
            for dd in range(D // 16):
                sl = pl.ds(dd * 16, 16)
                rows_v[p][e, sl] = rows_v[p][e, sl] * v16
            return c2
        lax.fori_loop(0, C, grp, 0)

    issue_gathers(0, 0)
    plsc.subcore_barrier()

    def step(n, p, first):
        wait_gathers(n, p)
        if first:
            @pl.when(n > 0)
            def _():
                wait_scatter(n - 1, 1 - p)
        else:
            wait_scatter(n - 1, 1 - p)
        issue_gathers(n + 1, 1 - p)
        compute(p)
        issue_scatter(n, p)

    def pair(g, carry):
        step(2 * g, 0, True)
        step(2 * g + 1, 1, False)
        return carry
    lax.fori_loop(0, (NCH - 1) // 2, pair, 0)

    wait_gathers(NCH - 1, 0)
    wait_scatter(NCH - 2, 1)
    compute(0)
    issue_scatter(NCH - 1, 0)
    wait_scatter(NCH - 1, 0)

    plsc.subcore_barrier()

    for k in range((NOCHK + NS - 1) // NS):
        ch = k * NS + sid

        @pl.when(ch < NOCHK)
        def _():
            pltpu.sync_copy(acc.at[pl.ds(ch * OCHK, OCHK)], rows_v[0])
            pltpu.sync_copy(rows_v[0],
                            out_hbm.at[cid, pl.ds(ch * OCHK, OCHK)])


_edge = functools.partial(
    pl.kernel,
    out_type=jax.ShapeDtypeStruct((NC, N, D), jnp.float32),
    mesh=plsc.VectorSubcoreMesh(core_axis_name="c", subcore_axis_name="s"),
    compiler_params=pltpu.CompilerParams(use_tc_tiling_on_sc=False),
    scratch_types=[
        pltpu.VMEM_SHARED((N, D), jnp.float32),
        pltpu.VMEM((NCH, C), jnp.int32),
        pltpu.VMEM((NCH, C), jnp.int32),
        [pltpu.VMEM((C, D), jnp.float32)] * 2,
        [pltpu.VMEM((C, 16), jnp.float32)] * 2,
        [pltpu.VMEM((C, 16), jnp.float32)] * 2,
        [pltpu.SemaphoreType.DMA] * 2,
        [pltpu.SemaphoreType.DMA] * 2,
    ],
)(_edge_body)


def _combine_body(p_ref, o_ref):
    o_ref[...] = p_ref[0] + p_ref[1]


def _combine(partial):
    grid = N // ROW_BLK
    return pl.pallas_call(
        _combine_body,
        grid=(grid,),
        in_specs=[pl.BlockSpec((NC, ROW_BLK, D), lambda i: (0, i, 0))],
        out_specs=pl.BlockSpec((ROW_BLK, D), lambda i: (i, 0)),
        out_shape=jax.ShapeDtypeStruct((N, D), jnp.float32),
    )(partial)


def kernel(features, edge_index, W, a, b):
    src = edge_index[0].astype(jnp.int32).reshape(NW * NCH, C)
    dst = edge_index[1].astype(jnp.int32).reshape(NW * NCH, C)
    b2d = b.reshape(1, D)
    a1p = jnp.tile(a[:D], (1, 16))
    a2p = jnp.tile(a[D:], (1, 16))

    feat, s1t, s2t = _prep(features, W, b2d, a1p, a2p)
    partial = _edge(src, dst, feat, s1t, s2t)
    return _combine(partial)

# --- scband reference (transcript-rebuilt; emitter-appended) ---
"""Pipeline reference for scband-graph-attention-conv-layer-21071109554804 (READ-ONLY COPY).

The authoritative reference and input builder live on the scoring server;
editing this copy changes nothing except your own understanding.
"""

import jax, jax.numpy as jnp
import numpy as np

N_NODES = 10000
N_EDGES = 320000
D_IN = 128
D_OUT = 128
ALPHA = 0.2

def setup_inputs(seed: int = 0) -> dict:
    key = jax.random.key(seed)
    k1, k2, k3, k4 = jax.random.split(key, 4)
    features = jax.random.normal(k1, (N_NODES, D_IN), dtype=jnp.float32)
    edge_index = jax.random.randint(k2, (2, N_EDGES), 0, N_NODES, dtype=jnp.int64)
    W = jax.random.normal(k3, (D_IN, D_OUT), dtype=jnp.float32) * 0.02
    a = jax.random.normal(k4, (2 * D_OUT, 1), dtype=jnp.float32) * (np.sqrt(2.0) / np.sqrt(2 * D_OUT))
    b = jnp.zeros((D_OUT,), dtype=jnp.float32)
    return {"features": features, "edge_index": edge_index, "W": W, "a": a, "b": b}

def reference(features, edge_index, W, a, b):
    # features = X @ W + bias
    feat = jnp.dot(features, W) + b
    src = edge_index[0]
    dst = edge_index[1]
    # per-edge attention logits: LeakyReLU(cat(feat[src], feat[dst]) @ a)
    adj_features = jnp.concatenate([jnp.take(feat, src, axis=0), jnp.take(feat, dst, axis=0)], axis=1)
    adj_v = jax.nn.leaky_relu(jnp.matmul(adj_features, a), negative_slope=ALPHA).reshape(-1)
    # spmm: out[i] = sum_{(i,j) in edges} v_ij * feat[j]  (NOTE: no softmax, matching original forward)
    out = jax.ops.segment_sum(adj_v[:, None] * jnp.take(feat, dst, axis=0), src, num_segments=N_NODES)
    return out

if __name__ == "__main__":
    import jax
    _d = setup_inputs()
    print(jax.jit(kernel)(*tuple(_d.values())))

</pallas_src>

<mosaic_0001>
#map = affine_map<(d0, d1) -> (0, 0)>
#map1 = affine_map<(d0, d1) -> (0, 0, 0)>
module attributes {stable_mosaic.version = 14 : i64} {
  func.func @_edge_body(%arg0: i32, %arg1: i32, %arg2: memref<4000x80xi32, #tpu.memory_space<hbm>>, %arg3: memref<4000x80xi32, #tpu.memory_space<hbm>>, %arg4: memref<10000x128xf32, #tpu.memory_space<hbm>>, %arg5: memref<10000x16xf32, #tpu.memory_space<hbm>>, %arg6: memref<10000x16xf32, #tpu.memory_space<hbm>>, %arg7: memref<2x10000x128xf32, #tpu.memory_space<hbm>>, %arg8: memref<10000x128xf32, #tpu.memory_space<vmem_shared>>, %arg9: memref<125x80xi32, #tpu.memory_space<vmem>>, %arg10: memref<125x80xi32, #tpu.memory_space<vmem>>, %arg11: memref<80x128xf32, #tpu.memory_space<vmem>>, %arg12: memref<80x128xf32, #tpu.memory_space<vmem>>, %arg13: memref<80x16xf32, #tpu.memory_space<vmem>>, %arg14: memref<80x16xf32, #tpu.memory_space<vmem>>, %arg15: memref<80x16xf32, #tpu.memory_space<vmem>>, %arg16: memref<80x16xf32, #tpu.memory_space<vmem>>, %arg17: memref<!tpu.dma_semaphore, #tpu.memory_space<semaphore_mem>>, %arg18: memref<!tpu.dma_semaphore, #tpu.memory_space<semaphore_mem>>, %arg19: memref<!tpu.dma_semaphore, #tpu.memory_space<semaphore_mem>>, %arg20: memref<!tpu.dma_semaphore, #tpu.memory_space<semaphore_mem>>) attributes {dimension_semantics = [#tpu.dimension_semantics<core_parallel>, #tpu.dimension_semantics<subcore_parallel>], iteration_bounds = array<i64: 2, 16>, scalar_prefetch = 0 : i64, scratch_operands = 13 : i64, tpu.core_type = #tpu.core_type<sc_vector_subcore>, window_params = [{transform_indices = #map}, {transform_indices = #map}, {transform_indices = #map}, {transform_indices = #map}, {transform_indices = #map}, {transform_indices = #map1}]} {
    %mul3A = arith.constant 16 : i32
    %mul3A_0 = arith.muli %arg0, %mul3A : i32
    %add3A = arith.addi %mul3A_0, %arg1 : i32
    %broadcast_in_dim3A = arith.constant 0.000000e+00 : f32
    %broadcast_in_dim3A_1 = vector.broadcast %broadcast_in_dim3A : f32 to vector<16xf32>
    %scan3A = arith.constant 0 : i32
    %scan3A_2 = arith.constant 0 : i32
    %scan3A_3 = arith.constant 80 : i32
    %scan3A_4 = arith.addi %scan3A_2, %scan3A_3 : i32
    %scan3A_5 = arith.constant 1 : i32
    scf.for %scan3A_194 = %scan3A_2 to %scan3A_4 step %scan3A_5  : i32 {
      %swap3A = arith.index_cast %scan3A_194 : i32 to index
      %swap3A_195 = arith.constant 0 : index
      %swap3A_196 = tpu.vector_load %arg11[%swap3A, %swap3A_195] {strides = array<i32>} : memref<80x128xf32, #tpu.memory_space<vmem>>, vector<1x16xf32>,
      %swap3A_197 = vector.shape_cast %swap3A_196 : vector<1x16xf32> to vector<16xf32>
      %swap3A_198 = vector.shape_cast %broadcast_in_dim3A_1 : vector<16xf32> to vector<1x16xf32>
      tpu.vector_store %arg11[%swap3A, %swap3A_195], %swap3A_198 {strides = array<i32>} : memref<80x128xf32, #tpu.memory_space<vmem>>, vector<1x16xf32>,
      %swap3A_199 = arith.index_cast %scan3A_194 : i32 to index
      %swap3A_200 = arith.constant 16 : index
      %swap3A_201 = tpu.vector_load %arg11[%swap3A_199, %swap3A_200] {strides = array<i32>} : memref<80x128xf32, #tpu.memory_space<vmem>>, vector<1x16xf32>,
      %swap3A_202 = vector.shape_cast %swap3A_201 : vector<1x16xf32> to vector<16xf32>
      %swap3A_203 = vector.shape_cast %broadcast_in_dim3A_1 : vector<16xf32> to vector<1x16xf32>
      tpu.vector_store %arg11[%swap3A_199, %swap3A_200], %swap3A_203 {strides = array<i32>} : memref<80x128xf32, #tpu.memory_space<vmem>>, vector<1x16xf32>,
      %swap3A_204 = arith.index_cast %scan3A_194 : i32 to index
      %swap3A_205 = arith.constant 32 : index
      %swap3A_206 = tpu.vector_load %arg11[%swap3A_204, %swap3A_205] {strides = array<i32>} : memref<80x128xf32, #tpu.memory_space<vmem>>, vector<1x16xf32>,
      %swap3A_207 = vector.shape_cast %swap3A_206 : vector<1x16xf32> to vector<16xf32>
      %swap3A_208 = vector.shape_cast %broadcast_in_dim3A_1 : vector<16xf32> to vector<1x16xf32>
      tpu.vector_store %arg11[%swap3A_204, %swap3A_205], %swap3A_208 {strides = array<i32>} : memref<80x128xf32, #tpu.memory_space<vmem>>, vector<1x16xf32>,
      %swap3A_209 = arith.index_cast %scan3A_194 : i32 to index
      %swap3A_210 = arith.constant 48 : index
      %swap3A_211 = tpu.vector_load %arg11[%swap3A_209, %swap3A_210] {strides = array<i32>} : memref<80x128xf32, #tpu.memory_space<vmem>>, vector<1x16xf32>,
      %swap3A_212 = vector.shape_cast %swap3A_211 : vector<1x16xf32> to vector<16xf32>
      %swap3A_213 = vector.shape_cast %broadcast_in_dim3A_1 : vector<16xf32> to vector<1x16xf32>
      tpu.vector_store %arg11[%swap3A_209, %swap3A_210], %swap3A_213 {strides = array<i32>} : memref<80x128xf32, #tpu.memory_space<vmem>>, vector<1x16xf32>,
      %swap3A_214 = arith.index_cast %scan3A_194 : i32 to index
      %swap3A_215 = arith.constant 64 : index
      %swap3A_216 = tpu.vector_load %arg11[%swap3A_214, %swap3A_215] {strides = array<i32>} : memref<80x128xf32, #tpu.memory_space<vmem>>, vector<1x16xf32>,
      %swap3A_217 = vector.shape_cast %swap3A_216 : vector<1x16xf32> to vector<16xf32>
      %swap3A_218 = vector.shape_cast %broadcast_in_dim3A_1 : vector<16xf32> to vector<1x16xf32>
      tpu.vector_store %arg11[%swap3A_214, %swap3A_215], %swap3A_218 {strides = array<i32>} : memref<80x128xf32, #tpu.memory_space<vmem>>, vector<1x16xf32>,
      %swap3A_219 = arith.index_cast %scan3A_194 : i32 to index
      %swap3A_220 = arith.constant 80 : index
      %swap3A_221 = tpu.vector_load %arg11[%swap3A_219, %swap3A_220] {strides = array<i32>} : memref<80x128xf32, #tpu.memory_space<vmem>>, vector<1x16xf32>,
      %swap3A_222 = vector.shape_cast %swap3A_221 : vector<1x16xf32> to vector<16xf32>
      %swap3A_223 = vector.shape_cast %broadcast_in_dim3A_1 : vector<16xf32> to vector<1x16xf32>
      tpu.vector_store %arg11[%swap3A_219, %swap3A_220], %swap3A_223 {strides = array<i32>} : memref<80x128xf32, #tpu.memory_space<vmem>>, vector<1x16xf32>,
      %swap3A_224 = arith.index_cast %scan3A_194 : i32 to index
      %swap3A_225 = arith.constant 96 : index
      %swap3A_226 = tpu.vector_load %arg11[%swap3A_224, %swap3A_225] {strides = array<i32>} : memref<80x128xf32, #tpu.memory_space<vmem>>, vector<1x16xf32>,
      %swap3A_227 = vector.shape_cast %swap3A_226 : vector<1x16xf32> to vector<16xf32>
      %swap3A_228 = vector.shape_cast %broadcast_in_dim3A_1 : vector<16xf32> to vector<1x16xf32>
      tpu.vector_store %arg11[%swap3A_224, %swap3A_225], %swap3A_228 {strides = array<i32>} : memref<80x128xf32, #tpu.memory_space<vmem>>, vector<1x16xf32>,
      %swap3A_229 = arith.index_cast %scan3A_194 : i32 to index
      %swap3A_230 = arith.constant 112 : index
      %swap3A_231 = tpu.vector_load %arg11[%swap3A_229, %swap3A_230] {strides = array<i32>} : memref<80x128xf32, #tpu.memory_space<vmem>>, vector<1x16xf32>,
      %swap3A_232 = vector.shape_cast %swap3A_231 : vector<1x16xf32> to vector<16xf32>
      %swap3A_233 = vector.shape_cast %broadcast_in_dim3A_1 : vector<16xf32> to vector<1x16xf32>
      tpu.vector_store %arg11[%swap3A_229, %swap3A_230], %swap3A_233 {strides = array<i32>} : memref<80x128xf32, #tpu.memory_space<vmem>>, vector<1x16xf32>,
    }
    %scan3A_6 = arith.constant 80 : i32
    %add3A_7 = arith.constant 0 : i32
    %add3A_8 = arith.addi %add3A_7, %arg1 : i32
    %lt3A = arith.constant 125 : i32
    %lt3A_9 = arith.cmpi slt, %add3A_8, %lt3A : i32
    %convert_element_type3A = arith.extui %lt3A_9 : i1 to i32
    %cond3A = arith.constant 0 : i32
    %cond3A_10 = arith.cmpi ne, %convert_element_type3A, %cond3A : i32
    scf.if %cond3A_10 {
      %mul3A_194 = arith.constant 80 : i32
      %mul3A_195 = arith.muli %add3A_8, %mul3A_194 : i32
      "tpu.region"() ({
        %run_scoped3A = tpu.sem_alloc : memref<!tpu.dma_semaphore, #tpu.memory_space<semaphore_mem>>
        %dma_start3A_196 = arith.constant 0 : i32
        %dma_start3A_197 = tpu.memref_slice %arg8[%mul3A_195, %dma_start3A_196] : memref<10000x128xf32, #tpu.memory_space<vmem_shared>> -> memref<80x128xf32, #tpu.memory_space<vmem_shared>>
        %dma_start3A_198 = arith.constant 0 : i32
        %dma_start3A_199 = tpu.memref_slice %arg8[%mul3A_195, %dma_start3A_198] : memref<10000x128xf32, #tpu.memory_space<vmem_shared>> -> memref<80x128xf32, #tpu.memory_space<vmem_shared>>
        tpu.enqueue_dma source(%arg11 : memref<80x128xf32, #tpu.memory_space<vmem>>) target(%dma_start3A_199 : memref<80x128xf32, #tpu.memory_space<vmem_shared>>) target_semaphore(%run_scoped3A : memref<!tpu.dma_semaphore, #tpu.memory_space<semaphore_mem>>)
        %dma_wait3A_200 = arith.constant 0 : i32
        %dma_wait3A_201 = tpu.memref_slice %arg8[%mul3A_195, %dma_wait3A_200] : memref<10000x128xf32, #tpu.memory_space<vmem_shared>> -> memref<80x128xf32, #tpu.memory_space<vmem_shared>>
        %dma_wait3A_202 = arith.constant 0 : i32
        %dma_wait3A_203 = tpu.memref_slice %arg8[%mul3A_195, %dma_wait3A_202] : memref<10000x128xf32, #tpu.memory_space<vmem_shared>> -> memref<80x128xf32, #tpu.memory_space<vmem_shared>>
        tpu.wait_dma2 semaphore(%run_scoped3A : memref<!tpu.dma_semaphore, #tpu.memory_space<semaphore_mem>>) src(%arg11 : memref<80x128xf32, #tpu.memory_space<vmem>>) dst(%dma_wait3A_203 : memref<80x128xf32, #tpu.memory_space<vmem_shared>>)
        tpu.yield
      }) : () -> ()
    } else {
    }
    %add3A_11 = arith.constant 16 : i32
    %add3A_12 = arith.addi %add3A_11, %arg1 : i32
    %lt3A_13 = arith.constant 125 : i32
    %lt3A_14 = arith.cmpi slt, %add3A_12, %lt3A_13 : i32
    %convert_element_type3A_15 = arith.extui %lt3A_14 : i1 to i32
    %cond3A_16 = arith.constant 0 : i32
    %cond3A_17 = arith.cmpi ne, %convert_element_type3A_15, %cond3A_16 : i32
    scf.if %cond3A_17 {
      %mul3A_194 = arith.constant 80 : i32
      %mul3A_195 = arith.muli %add3A_12, %mul3A_194 : i32
      "tpu.region"() ({
        %run_scoped3A = tpu.sem_alloc : memref<!tpu.dma_semaphore, #tpu.memory_space<semaphore_mem>>
        %dma_start3A_196 = arith.constant 0 : i32
        %dma_start3A_197 = tpu.memref_slice %arg8[%mul3A_195, %dma_start3A_196] : memref<10000x128xf32, #tpu.memory_space<vmem_shared>> -> memref<80x128xf32, #tpu.memory_space<vmem_shared>>
        %dma_start3A_198 = arith.constant 0 : i32
        %dma_start3A_199 = tpu.memref_slice %arg8[%mul3A_195, %dma_start3A_198] : memref<10000x128xf32, #tpu.memory_space<vmem_shared>> -> memref<80x128xf32, #tpu.memory_space<vmem_shared>>
        tpu.enqueue_dma source(%arg11 : memref<80x128xf32, #tpu.memory_space<vmem>>) target(%dma_start3A_199 : memref<80x128xf32, #tpu.memory_space<vmem_shared>>) target_semaphore(%run_scoped3A : memref<!tpu.dma_semaphore, #tpu.memory_space<semaphore_mem>>)
        %dma_wait3A_200 = arith.constant 0 : i32
        %dma_wait3A_201 = tpu.memref_slice %arg8[%mul3A_195, %dma_wait3A_200] : memref<10000x128xf32, #tpu.memory_space<vmem_shared>> -> memref<80x128xf32, #tpu.memory_space<vmem_shared>>
        %dma_wait3A_202 = arith.constant 0 : i32
        %dma_wait3A_203 = tpu.memref_slice %arg8[%mul3A_195, %dma_wait3A_202] : memref<10000x128xf32, #tpu.memory_space<vmem_shared>> -> memref<80x128xf32, #tpu.memory_space<vmem_shared>>
        tpu.wait_dma2 semaphore(%run_scoped3A : memref<!tpu.dma_semaphore, #tpu.memory_space<semaphore_mem>>) src(%arg11 : memref<80x128xf32, #tpu.memory_space<vmem>>) dst(%dma_wait3A_203 : memref<80x128xf32, #tpu.memory_space<vmem_shared>>)
        tpu.yield
      }) : () -> ()
    } else {
    }
    %add3A_18 = arith.constant 32 : i32
    %add3A_19 = arith.addi %add3A_18, %arg1 : i32
    %lt3A_20 = arith.constant 125 : i32
    %lt3A_21 = arith.cmpi slt, %add3A_19, %lt3A_20 : i32
    %convert_element_type3A_22 = arith.extui %lt3A_21 : i1 to i32
    %cond3A_23 = arith.constant 0 : i32
    %cond3A_24 = arith.cmpi ne, %convert_element_type3A_22, %cond3A_23 : i32
    scf.if %cond3A_24 {
      %mul3A_194 = arith.constant 80 : i32
      %mul3A_195 = arith.muli %add3A_19, %mul3A_194 : i32
      "tpu.region"() ({
        %run_scoped3A = tpu.sem_alloc : memref<!tpu.dma_semaphore, #tpu.memory_space<semaphore_mem>>
        %dma_start3A_196 = arith.constant 0 : i32
        %dma_start3A_197 = tpu.memref_slice %arg8[%mul3A_195, %dma_start3A_196] : memref<10000x128xf32, #tpu.memory_space<vmem_shared>> -> memref<80x128xf32, #tpu.memory_space<vmem_shared>>
        %dma_start3A_198 = arith.constant 0 : i32
        %dma_start3A_199 = tpu.memref_slice %arg8[%mul3A_195, %dma_start3A_198] : memref<10000x128xf32, #tpu.memory_space<vmem_shared>> -> memref<80x128xf32, #tpu.memory_space<vmem_shared>>
        tpu.enqueue_dma source(%arg11 : memref<80x128xf32, #tpu.memory_space<vmem>>) target(%dma_start3A_199 : memref<80x128xf32, #tpu.memory_space<vmem_shared>>) target_semaphore(%run_scoped3A : memref<!tpu.dma_semaphore, #tpu.memory_space<semaphore_mem>>)
        %dma_wait3A_200 = arith.constant 0 : i32
        %dma_wait3A_201 = tpu.memref_slice %arg8[%mul3A_195, %dma_wait3A_200] : memref<10000x128xf32, #tpu.memory_space<vmem_shared>> -> memref<80x128xf32, #tpu.memory_space<vmem_shared>>
        %dma_wait3A_202 = arith.constant 0 : i32
        %dma_wait3A_203 = tpu.memref_slice %arg8[%mul3A_195, %dma_wait3A_202] : memref<10000x128xf32, #tpu.memory_space<vmem_shared>> -> memref<80x128xf32, #tpu.memory_space<vmem_shared>>
        tpu.wait_dma2 semaphore(%run_scoped3A : memref<!tpu.dma_semaphore, #tpu.memory_space<semaphore_mem>>) src(%arg11 : memref<80x128xf32, #tpu.memory_space<vmem>>) dst(%dma_wait3A_203 : memref<80x128xf32, #tpu.memory_space<vmem_shared>>)
        tpu.yield
      }) : () -> ()
    } else {
    }
    %add3A_25 = arith.constant 48 : i32
    %add3A_26 = arith.addi %add3A_25, %arg1 : i32
    %lt3A_27 = arith.constant 125 : i32
    %lt3A_28 = arith.cmpi slt, %add3A_26, %lt3A_27 : i32
    %convert_element_type3A_29 = arith.extui %lt3A_28 : i1 to i32
    %cond3A_30 = arith.constant 0 : i32
    %cond3A_31 = arith.cmpi ne, %convert_element_type3A_29, %cond3A_30 : i32
    scf.if %cond3A_31 {
      %mul3A_194 = arith.constant 80 : i32
      %mul3A_195 = arith.muli %add3A_26, %mul3A_194 : i32
      "tpu.region"() ({
        %run_scoped3A = tpu.sem_alloc : memref<!tpu.dma_semaphore, #tpu.memory_space<semaphore_mem>>
        %dma_start3A_196 = arith.constant 0 : i32
        %dma_start3A_197 = tpu.memref_slice %arg8[%mul3A_195, %dma_start3A_196] : memref<10000x128xf32, #tpu.memory_space<vmem_shared>> -> memref<80x128xf32, #tpu.memory_space<vmem_shared>>
        %dma_start3A_198 = arith.constant 0 : i32
        %dma_start3A_199 = tpu.memref_slice %arg8[%mul3A_195, %dma_start3A_198] : memref<10000x128xf32, #tpu.memory_space<vmem_shared>> -> memref<80x128xf32, #tpu.memory_space<vmem_shared>>
        tpu.enqueue_dma source(%arg11 : memref<80x128xf32, #tpu.memory_space<vmem>>) target(%dma_start3A_199 : memref<80x128xf32, #tpu.memory_space<vmem_shared>>) target_semaphore(%run_scoped3A : memref<!tpu.dma_semaphore, #tpu.memory_space<semaphore_mem>>)
        %dma_wait3A_200 = arith.constant 0 : i32
        %dma_wait3A_201 = tpu.memref_slice %arg8[%mul3A_195, %dma_wait3A_200] : memref<10000x128xf32, #tpu.memory_space<vmem_shared>> -> memref<80x128xf32, #tpu.memory_space<vmem_shared>>
        %dma_wait3A_202 = arith.constant 0 : i32
        %dma_wait3A_203 = tpu.memref_slice %arg8[%mul3A_195, %dma_wait3A_202] : memref<10000x128xf32, #tpu.memory_space<vmem_shared>> -> memref<80x128xf32, #tpu.memory_space<vmem_shared>>
        tpu.wait_dma2 semaphore(%run_scoped3A : memref<!tpu.dma_semaphore, #tpu.memory_space<semaphore_mem>>) src(%arg11 : memref<80x128xf32, #tpu.memory_space<vmem>>) dst(%dma_wait3A_203 : memref<80x128xf32, #tpu.memory_space<vmem_shared>>)
        tpu.yield
      }) : () -> ()
    } else {
    }
    %add3A_32 = arith.constant 64 : i32
    %add3A_33 = arith.addi %add3A_32, %arg1 : i32
    %lt3A_34 = arith.constant 125 : i32
    %lt3A_35 = arith.cmpi slt, %add3A_33, %lt3A_34 : i32
    %convert_element_type3A_36 = arith.extui %lt3A_35 : i1 to i32
    %cond3A_37 = arith.constant 0 : i32
    %cond3A_38 = arith.cmpi ne, %convert_element_type3A_36, %cond3A_37 : i32
    scf.if %cond3A_38 {
      %mul3A_194 = arith.constant 80 : i32
      %mul3A_195 = arith.muli %add3A_33, %mul3A_194 : i32
      "tpu.region"() ({
        %run_scoped3A = tpu.sem_alloc : memref<!tpu.dma_semaphore, #tpu.memory_space<semaphore_mem>>
        %dma_start3A_196 = arith.constant 0 : i32
        %dma_start3A_197 = tpu.memref_slice %arg8[%mul3A_195, %dma_start3A_196] : memref<10000x128xf32, #tpu.memory_space<vmem_shared>> -> memref<80x128xf32, #tpu.memory_space<vmem_shared>>
        %dma_start3A_198 = arith.constant 0 : i32
        %dma_start3A_199 = tpu.memref_slice %arg8[%mul3A_195, %dma_start3A_198] : memref<10000x128xf32, #tpu.memory_space<vmem_shared>> -> memref<80x128xf32, #tpu.memory_space<vmem_shared>>
        tpu.enqueue_dma source(%arg11 : memref<80x128xf32, #tpu.memory_space<vmem>>) target(%dma_start3A_199 : memref<80x128xf32, #tpu.memory_space<vmem_shared>>) target_semaphore(%run_scoped3A : memref<!tpu.dma_semaphore, #tpu.memory_space<semaphore_mem>>)
        %dma_wait3A_200 = arith.constant 0 : i32
        %dma_wait3A_201 = tpu.memref_slice %arg8[%mul3A_195, %dma_wait3A_200] : memref<10000x128xf32, #tpu.memory_space<vmem_shared>> -> memref<80x128xf32, #tpu.memory_space<vmem_shared>>
        %dma_wait3A_202 = arith.constant 0 : i32
        %dma_wait3A_203 = tpu.memref_slice %arg8[%mul3A_195, %dma_wait3A_202] : memref<10000x128xf32, #tpu.memory_space<vmem_shared>> -> memref<80x128xf32, #tpu.memory_space<vmem_shared>>
        tpu.wait_dma2 semaphore(%run_scoped3A : memref<!tpu.dma_semaphore, #tpu.memory_space<semaphore_mem>>) src(%arg11 : memref<80x128xf32, #tpu.memory_space<vmem>>) dst(%dma_wait3A_203 : memref<80x128xf32, #tpu.memory_space<vmem_shared>>)
        tpu.yield
      }) : () -> ()
    } else {
    }
    %add3A_39 = arith.constant 80 : i32
    %add3A_40 = arith.addi %add3A_39, %arg1 : i32
    %lt3A_41 = arith.constant 125 : i32
    %lt3A_42 = arith.cmpi slt, %add3A_40, %lt3A_41 : i32
    %convert_element_type3A_43 = arith.extui %lt3A_42 : i1 to i32
    %cond3A_44 = arith.constant 0 : i32
    %cond3A_45 = arith.cmpi ne, %convert_element_type3A_43, %cond3A_44 : i32
    scf.if %cond3A_45 {
      %mul3A_194 = arith.constant 80 : i32
      %mul3A_195 = arith.muli %add3A_40, %mul3A_194 : i32
      "tpu.region"() ({
        %run_scoped3A = tpu.sem_alloc : memref<!tpu.dma_semaphore, #tpu.memory_space<semaphore_mem>>
        %dma_start3A_196 = arith.constant 0 : i32
        %dma_start3A_197 = tpu.memref_slice %arg8[%mul3A_195, %dma_start3A_196] : memref<10000x128xf32, #tpu.memory_space<vmem_shared>> -> memref<80x128xf32, #tpu.memory_space<vmem_shared>>
        %dma_start3A_198 = arith.constant 0 : i32
        %dma_start3A_199 = tpu.memref_slice %arg8[%mul3A_195, %dma_start3A_198] : memref<10000x128xf32, #tpu.memory_space<vmem_shared>> -> memref<80x128xf32, #tpu.memory_space<vmem_shared>>
        tpu.enqueue_dma source(%arg11 : memref<80x128xf32, #tpu.memory_space<vmem>>) target(%dma_start3A_199 : memref<80x128xf32, #tpu.memory_space<vmem_shared>>) target_semaphore(%run_scoped3A : memref<!tpu.dma_semaphore, #tpu.memory_space<semaphore_mem>>)
        %dma_wait3A_200 = arith.constant 0 : i32
        %dma_wait3A_201 = tpu.memref_slice %arg8[%mul3A_195, %dma_wait3A_200] : memref<10000x128xf32, #tpu.memory_space<vmem_shared>> -> memref<80x128xf32, #tpu.memory_space<vmem_shared>>
        %dma_wait3A_202 = arith.constant 0 : i32
        %dma_wait3A_203 = tpu.memref_slice %arg8[%mul3A_195, %dma_wait3A_202] : memref<10000x128xf32, #tpu.memory_space<vmem_shared>> -> memref<80x128xf32, #tpu.memory_space<vmem_shared>>
        tpu.wait_dma2 semaphore(%run_scoped3A : memref<!tpu.dma_semaphore, #tpu.memory_space<semaphore_mem>>) src(%arg11 : memref<80x128xf32, #tpu.memory_space<vmem>>) dst(%dma_wait3A_203 : memref<80x128xf32, #tpu.memory_space<vmem_shared>>)
        tpu.yield
      }) : () -> ()
    } else {
    }
    %add3A_46 = arith.constant 96 : i32
    %add3A_47 = arith.addi %add3A_46, %arg1 : i32
    %lt3A_48 = arith.constant 125 : i32
    %lt3A_49 = arith.cmpi slt, %add3A_47, %lt3A_48 : i32
    %convert_element_type3A_50 = arith.extui %lt3A_49 : i1 to i32
    %cond3A_51 = arith.constant 0 : i32
    %cond3A_52 = arith.cmpi ne, %convert_element_type3A_50, %cond3A_51 : i32
    scf.if %cond3A_52 {
      %mul3A_194 = arith.constant 80 : i32
      %mul3A_195 = arith.muli %add3A_47, %mul3A_194 : i32
      "tpu.region"() ({
        %run_scoped3A = tpu.sem_alloc : memref<!tpu.dma_semaphore, #tpu.memory_space<semaphore_mem>>
        %dma_start3A_196 = arith.constant 0 : i32
        %dma_start3A_197 = tpu.memref_slice %arg8[%mul3A_195, %dma_start3A_196] : memref<10000x128xf32, #tpu.memory_space<vmem_shared>> -> memref<80x128xf32, #tpu.memory_space<vmem_shared>>
        %dma_start3A_198 = arith.constant 0 : i32
        %dma_start3A_199 = tpu.memref_slice %arg8[%mul3A_195, %dma_start3A_198] : memref<10000x128xf32, #tpu.memory_space<vmem_shared>> -> memref<80x128xf32, #tpu.memory_space<vmem_shared>>
        tpu.enqueue_dma source(%arg11 : memref<80x128xf32, #tpu.memory_space<vmem>>) target(%dma_start3A_199 : memref<80x128xf32, #tpu.memory_space<vmem_shared>>) target_semaphore(%run_scoped3A : memref<!tpu.dma_semaphore, #tpu.memory_space<semaphore_mem>>)
        %dma_wait3A_200 = arith.constant 0 : i32
        %dma_wait3A_201 = tpu.memref_slice %arg8[%mul3A_195, %dma_wait3A_200] : memref<10000x128xf32, #tpu.memory_space<vmem_shared>> -> memref<80x128xf32, #tpu.memory_space<vmem_shared>>
        %dma_wait3A_202 = arith.constant 0 : i32
        %dma_wait3A_203 = tpu.memref_slice %arg8[%mul3A_195, %dma_wait3A_202] : memref<10000x128xf32, #tpu.memory_space<vmem_shared>> -> memref<80x128xf32, #tpu.memory_space<vmem_shared>>
        tpu.wait_dma2 semaphore(%run_scoped3A : memref<!tpu.dma_semaphore, #tpu.memory_space<semaphore_mem>>) src(%arg11 : memref<80x128xf32, #tpu.memory_space<vmem>>) dst(%dma_wait3A_203 : memref<80x128xf32, #tpu.memory_space<vmem_shared>>)
        tpu.yield
      }) : () -> ()
    } else {
    }
    %add3A_53 = arith.constant 112 : i32
    %add3A_54 = arith.addi %add3A_53, %arg1 : i32
    %lt3A_55 = arith.constant 125 : i32
    %lt3A_56 = arith.cmpi slt, %add3A_54, %lt3A_55 : i32
    %convert_element_type3A_57 = arith.extui %lt3A_56 : i1 to i32
    %cond3A_58 = arith.constant 0 : i32
    %cond3A_59 = arith.cmpi ne, %convert_element_type3A_57, %cond3A_58 : i32
    scf.if %cond3A_59 {
      %mul3A_194 = arith.constant 80 : i32
      %mul3A_195 = arith.muli %add3A_54, %mul3A_194 : i32
      "tpu.region"() ({
        %run_scoped3A = tpu.sem_alloc : memref<!tpu.dma_semaphore, #tpu.memory_space<semaphore_mem>>
        %dma_start3A_196 = arith.constant 0 : i32
        %dma_start3A_197 = tpu.memref_slice %arg8[%mul3A_195, %dma_start3A_196] : memref<10000x128xf32, #tpu.memory_space<vmem_shared>> -> memref<80x128xf32, #tpu.memory_space<vmem_shared>>
        %dma_start3A_198 = arith.constant 0 : i32
        %dma_start3A_199 = tpu.memref_slice %arg8[%mul3A_195, %dma_start3A_198] : memref<10000x128xf32, #tpu.memory_space<vmem_shared>> -> memref<80x128xf32, #tpu.memory_space<vmem_shared>>
        tpu.enqueue_dma source(%arg11 : memref<80x128xf32, #tpu.memory_space<vmem>>) target(%dma_start3A_199 : memref<80x128xf32, #tpu.memory_space<vmem_shared>>) target_semaphore(%run_scoped3A : memref<!tpu.dma_semaphore, #tpu.memory_space<semaphore_mem>>)
        %dma_wait3A_200 = arith.constant 0 : i32
        %dma_wait3A_201 = tpu.memref_slice %arg8[%mul3A_195, %dma_wait3A_200] : memref<10000x128xf32, #tpu.memory_space<vmem_shared>> -> memref<80x128xf32, #tpu.memory_space<vmem_shared>>
        %dma_wait3A_202 = arith.constant 0 : i32
        %dma_wait3A_203 = tpu.memref_slice %arg8[%mul3A_195, %dma_wait3A_202] : memref<10000x128xf32, #tpu.memory_space<vmem_shared>> -> memref<80x128xf32, #tpu.memory_space<vmem_shared>>
        tpu.wait_dma2 semaphore(%run_scoped3A : memref<!tpu.dma_semaphore, #tpu.memory_space<semaphore_mem>>) src(%arg11 : memref<80x128xf32, #tpu.memory_space<vmem>>) dst(%dma_wait3A_203 : memref<80x128xf32, #tpu.memory_space<vmem_shared>>)
        tpu.yield
      }) : () -> ()
    } else {
    }
    %mul3A_60 = arith.constant 125 : i32
    %mul3A_61 = arith.muli %add3A, %mul3A_60 : i32
    "tpu.region"() ({
      %run_scoped3A = tpu.sem_alloc : memref<!tpu.dma_semaphore, #tpu.memory_space<semaphore_mem>>
      %dma_start3A_194 = arith.constant 0 : i32
      %dma_start3A_195 = tpu.memref_slice %arg2[%mul3A_61, %dma_start3A_194] : memref<4000x80xi32, #tpu.memory_space<hbm>> -> memref<125x80xi32, #tpu.memory_space<hbm>>
      %dma_start3A_196 = arith.constant 0 : i32
      %dma_start3A_197 = tpu.memref_slice %arg2[%mul3A_61, %dma_start3A_196] : memref<4000x80xi32, #tpu.memory_space<hbm>> -> memref<125x80xi32, #tpu.memory_space<hbm>>
      tpu.enqueue_dma source(%dma_start3A_197 : memref<125x80xi32, #tpu.memory_space<hbm>>) target(%arg9 : memref<125x80xi32, #tpu.memory_space<vmem>>) target_semaphore(%run_scoped3A : memref<!tpu.dma_semaphore, #tpu.memory_space<semaphore_mem>>)
      %dma_wait3A_198 = arith.constant 0 : i32
      %dma_wait3A_199 = tpu.memref_slice %arg2[%mul3A_61, %dma_wait3A_198] : memref<4000x80xi32, #tpu.memory_space<hbm>> -> memref<125x80xi32, #tpu.memory_space<hbm>>
      %dma_wait3A_200 = arith.constant 0 : i32
      %dma_wait3A_201 = tpu.memref_slice %arg2[%mul3A_61, %dma_wait3A_200] : memref<4000x80xi32, #tpu.memory_space<hbm>> -> memref<125x80xi32, #tpu.memory_space<hbm>>
      tpu.wait_dma2 semaphore(%run_scoped3A : memref<!tpu.dma_semaphore, #tpu.memory_space<semaphore_mem>>) src(%dma_wait3A_201 : memref<125x80xi32, #tpu.memory_space<hbm>>) dst(%arg9 : memref<125x80xi32, #tpu.memory_space<vmem>>)
      tpu.yield
    }) : () -> ()
    %mul3A_62 = arith.constant 125 : i32
    %mul3A_63 = arith.muli %add3A, %mul3A_62 : i32
    "tpu.region"() ({
      %run_scoped3A = tpu.sem_alloc : memref<!tpu.dma_semaphore, #tpu.memory_space<semaphore_mem>>
      %dma_start3A_194 = arith.constant 0 : i32
      %dma_start3A_195 = tpu.memref_slice %arg3[%mul3A_63, %dma_start3A_194] : memref<4000x80xi32, #tpu.memory_space<hbm>> -> memref<125x80xi32, #tpu.memory_space<hbm>>
      %dma_start3A_196 = arith.constant 0 : i32
      %dma_start3A_197 = tpu.memref_slice %arg3[%mul3A_63, %dma_start3A_196] : memref<4000x80xi32, #tpu.memory_space<hbm>> -> memref<125x80xi32, #tpu.memory_space<hbm>>
      tpu.enqueue_dma source(%dma_start3A_197 : memref<125x80xi32, #tpu.memory_space<hbm>>) target(%arg10 : memref<125x80xi32, #tpu.memory_space<vmem>>) target_semaphore(%run_scoped3A : memref<!tpu.dma_semaphore, #tpu.memory_space<semaphore_mem>>)
      %dma_wait3A_198 = arith.constant 0 : i32
      %dma_wait3A_199 = tpu.memref_slice %arg3[%mul3A_63, %dma_wait3A_198] : memref<4000x80xi32, #tpu.memory_space<hbm>> -> memref<125x80xi32, #tpu.memory_space<hbm>>
      %dma_wait3A_200 = arith.constant 0 : i32
      %dma_wait3A_201 = tpu.memref_slice %arg3[%mul3A_63, %dma_wait3A_200] : memref<4000x80xi32, #tpu.memory_space<hbm>> -> memref<125x80xi32, #tpu.memory_space<hbm>>
      tpu.wait_dma2 semaphore(%run_scoped3A : memref<!tpu.dma_semaphore, #tpu.memory_space<semaphore_mem>>) src(%dma_wait3A_201 : memref<125x80xi32, #tpu.memory_space<hbm>>) dst(%arg10 : memref<125x80xi32, #tpu.memory_space<vmem>>)
      tpu.yield
    }) : () -> ()
    %dma_start3A = arith.constant 0 : i32
    %dma_start3A_64 = arith.constant 0 : i32
    %dma_start3A_65 = tpu.memref_slice %arg10[%dma_start3A, %dma_start3A_64] : memref<125x80xi32, #tpu.memory_space<vmem>> -> memref<1x80xi32, #tpu.memory_space<vmem>>
    %dma_start3A_66 = tpu.memref_squeeze %dma_start3A_65 : memref<1x80xi32, #tpu.memory_space<vmem>> -> memref<80xi32, #tpu.memory_space<vmem>>
    %dma_start3A_67 = arith.constant 0 : i32
    %dma_start3A_68 = arith.constant 0 : i32
    %dma_start3A_69 = tpu.memref_slice %arg4[%dma_start3A_67, %dma_start3A_68] : memref<10000x128xf32, #tpu.memory_space<hbm>> -> memref<10000x128xf32, #tpu.memory_space<hbm>>
    tpu.enqueue_indirect_dma source(%dma_start3A_69 : memref<10000x128xf32, #tpu.memory_space<hbm>>) target(%arg11 : memref<80x128xf32, #tpu.memory_space<vmem>>) offsets(%dma_start3A_66 : memref<80xi32, #tpu.memory_space<vmem>>) semaphore(%arg17 : memref<!tpu.dma_semaphore, #tpu.memory_space<semaphore_mem>>)
    %dma_start3A_70 = arith.constant 0 : i32
    %dma_start3A_71 = arith.constant 0 : i32
    %dma_start3A_72 = tpu.memref_slice %arg9[%dma_start3A_70, %dma_start3A_71] : memref<125x80xi32, #tpu.memory_space<vmem>> -> memref<1x80xi32, #tpu.memory_space<vmem>>
    %dma_start3A_73 = tpu.memref_squeeze %dma_start3A_72 : memref<1x80xi32, #tpu.memory_space<vmem>> -> memref<80xi32, #tpu.memory_space<vmem>>
    %dma_start3A_74 = arith.constant 0 : i32
    %dma_start3A_75 = arith.constant 0 : i32
    %dma_start3A_76 = tpu.memref_slice %arg5[%dma_start3A_74, %dma_start3A_75] : memref<10000x16xf32, #tpu.memory_space<hbm>> -> memref<10000x16xf32, #tpu.memory_space<hbm>>
    tpu.enqueue_indirect_dma source(%dma_start3A_76 : memref<10000x16xf32, #tpu.memory_space<hbm>>) target(%arg13 : memref<80x16xf32, #tpu.memory_space<vmem>>) offsets(%dma_start3A_73 : memref<80xi32, #tpu.memory_space<vmem>>) semaphore(%arg17 : memref<!tpu.dma_semaphore, #tpu.memory_space<semaphore_mem>>)
    %dma_start3A_77 = arith.constant 0 : i32
    %dma_start3A_78 = arith.constant 0 : i32
    %dma_start3A_79 = tpu.memref_slice %arg10[%dma_start3A_77, %dma_start3A_78] : memref<125x80xi32, #tpu.memory_space<vmem>> -> memref<1x80xi32, #tpu.memory_space<vmem>>
    %dma_start3A_80 = tpu.memref_squeeze %dma_start3A_79 : memref<1x80xi32, #tpu.memory_space<vmem>> -> memref<80xi32, #tpu.memory_space<vmem>>
    %dma_start3A_81 = arith.constant 0 : i32
    %dma_start3A_82 = arith.constant 0 : i32
    %dma_start3A_83 = tpu.memref_slice %arg6[%dma_start3A_81, %dma_start3A_82] : memref<10000x16xf32, #tpu.memory_space<hbm>> -> memref<10000x16xf32, #tpu.memory_space<hbm>>
    tpu.enqueue_indirect_dma source(%dma_start3A_83 : memref<10000x16xf32, #tpu.memory_space<hbm>>) target(%arg15 : memref<80x16xf32, #tpu.memory_space<vmem>>) offsets(%dma_start3A_80 : memref<80xi32, #tpu.memory_space<vmem>>) semaphore(%arg17 : memref<!tpu.dma_semaphore, #tpu.memory_space<semaphore_mem>>)
    %barrier3A = arith.constant 0 : index
    tpu.barrier barrier_id(%barrier3A)
    %scan3A_84 = arith.constant 0 : i32
    %scan3A_85 = arith.constant 0 : i32
    %scan3A_86 = arith.constant 62 : i32
    %scan3A_87 = arith.addi %scan3A_85, %scan3A_86 : i32
    %scan3A_88 = arith.constant 1 : i32
    scf.for %scan3A_194 = %scan3A_85 to %scan3A_87 step %scan3A_88  : i32 {
      %mul3A_195 = arith.constant 2 : i32
      %mul3A_196 = arith.muli %mul3A_195, %scan3A_194 : i32
      %dma_wait3A_197 = arith.constant 0 : i32
      %dma_wait3A_198 = tpu.memref_slice %arg10[%mul3A_196, %dma_wait3A_197] : memref<125x80xi32, #tpu.memory_space<vmem>> -> memref<1x80xi32, #tpu.memory_space<vmem>>
      %dma_wait3A_199 = tpu.memref_squeeze %dma_wait3A_198 : memref<1x80xi32, #tpu.memory_space<vmem>> -> memref<80xi32, #tpu.memory_space<vmem>>
      %dma_wait3A_200 = arith.constant 0 : i32
      %dma_wait3A_201 = arith.constant 0 : i32
      %dma_wait3A_202 = tpu.memref_slice %arg4[%dma_wait3A_200, %dma_wait3A_201] : memref<10000x128xf32, #tpu.memory_space<hbm>> -> memref<10000x128xf32, #tpu.memory_space<hbm>>
      tpu.wait_indirect_dma semaphore(%arg17 : memref<!tpu.dma_semaphore, #tpu.memory_space<semaphore_mem>>) src(%dma_wait3A_202 : memref<10000x128xf32, #tpu.memory_space<hbm>>) dst(%arg11 : memref<80x128xf32, #tpu.memory_space<vmem>>)
      %dma_wait3A_203 = arith.constant 0 : i32
      %dma_wait3A_204 = tpu.memref_slice %arg9[%mul3A_196, %dma_wait3A_203] : memref<125x80xi32, #tpu.memory_space<vmem>> -> memref<1x80xi32, #tpu.memory_space<vmem>>
      %dma_wait3A_205 = tpu.memref_squeeze %dma_wait3A_204 : memref<1x80xi32, #tpu.memory_space<vmem>> -> memref<80xi32, #tpu.memory_space<vmem>>
      %dma_wait3A_206 = arith.constant 0 : i32
      %dma_wait3A_207 = arith.constant 0 : i32
      %dma_wait3A_208 = tpu.memref_slice %arg5[%dma_wait3A_206, %dma_wait3A_207] : memref<10000x16xf32, #tpu.memory_space<hbm>> -> memref<10000x16xf32, #tpu.memory_space<hbm>>
      tpu.wait_indirect_dma semaphore(%arg17 : memref<!tpu.dma_semaphore, #tpu.memory_space<semaphore_mem>>) src(%dma_wait3A_208 : memref<10000x16xf32, #tpu.memory_space<hbm>>) dst(%arg13 : memref<80x16xf32, #tpu.memory_space<vmem>>)
      %dma_wait3A_209 = arith.constant 0 : i32
      %dma_wait3A_210 = tpu.memref_slice %arg10[%mul3A_196, %dma_wait3A_209] : memref<125x80xi32, #tpu.memory_space<vmem>> -> memref<1x80xi32, #tpu.memory_space<vmem>>
      %dma_wait3A_211 = tpu.memref_squeeze %dma_wait3A_210 : memref<1x80xi32, #tpu.memory_space<vmem>> -> memref<80xi32, #tpu.memory_space<vmem>>
      %dma_wait3A_212 = arith.constant 0 : i32
      %dma_wait3A_213 = arith.constant 0 : i32
      %dma_wait3A_214 = tpu.memref_slice %arg6[%dma_wait3A_212, %dma_wait3A_213] : memref<10000x16xf32, #tpu.memory_space<hbm>> -> memref<10000x16xf32, #tpu.memory_space<hbm>>
      tpu.wait_indirect_dma semaphore(%arg17 : memref<!tpu.dma_semaphore, #tpu.memory_space<semaphore_mem>>) src(%dma_wait3A_214 : memref<10000x16xf32, #tpu.memory_space<hbm>>) dst(%arg15 : memref<80x16xf32, #tpu.memory_space<vmem>>)
      %gt3A = arith.constant 0 : i32
      %gt3A_215 = arith.cmpi sgt, %mul3A_196, %gt3A : i32
      %convert_element_type3A_216 = arith.extui %gt3A_215 : i1 to i32
      %cond3A_217 = arith.constant 0 : i32
      %cond3A_218 = arith.cmpi ne, %convert_element_type3A_216, %cond3A_217 : i32
      scf.if %cond3A_218 {
        %sub3A_312 = arith.constant 1 : i32
        %sub3A_313 = arith.subi %mul3A_196, %sub3A_312 : i32
        %dma_wait3A_314 = arith.constant 0 : i32
        %dma_wait3A_315 = tpu.memref_slice %arg9[%sub3A_313, %dma_wait3A_314] : memref<125x80xi32, #tpu.memory_space<vmem>> -> memref<1x80xi32, #tpu.memory_space<vmem>>
        %dma_wait3A_316 = tpu.memref_squeeze %dma_wait3A_315 : memref<1x80xi32, #tpu.memory_space<vmem>> -> memref<80xi32, #tpu.memory_space<vmem>>
        %dma_wait3A_317 = arith.constant 0 : i32
        %dma_wait3A_318 = arith.constant 0 : i32
        %dma_wait3A_319 = tpu.memref_slice %arg8[%dma_wait3A_317, %dma_wait3A_318] : memref<10000x128xf32, #tpu.memory_space<vmem_shared>> -> memref<10000x128xf32, #tpu.memory_space<vmem_shared>>
        tpu.wait_indirect_dma semaphore(%arg20 : memref<!tpu.dma_semaphore, #tpu.memory_space<semaphore_mem>>) src(%arg12 : memref<80x128xf32, #tpu.memory_space<vmem>>) dst(%dma_wait3A_319 : memref<10000x128xf32, #tpu.memory_space<vmem_shared>>)
      } else {
      }
      %add3A_219 = arith.constant 1 : i32
      %add3A_220 = arith.addi %mul3A_196, %add3A_219 : i32
      %dma_start3A_221 = arith.constant 0 : i32
      %dma_start3A_222 = tpu.memref_slice %arg10[%add3A_220, %dma_start3A_221] : memref<125x80xi32, #tpu.memory_space<vmem>> -> memref<1x80xi32, #tpu.memory_space<vmem>>
      %dma_start3A_223 = tpu.memref_squeeze %dma_start3A_222 : memref<1x80xi32, #tpu.memory_space<vmem>> -> memref<80xi32, #tpu.memory_space<vmem>>
      %dma_start3A_224 = arith.constant 0 : i32
      %dma_start3A_225 = arith.constant 0 : i32
      %dma_start3A_226 = tpu.memref_slice %arg4[%dma_start3A_224, %dma_start3A_225] : memref<10000x128xf32, #tpu.memory_space<hbm>> -> memref<10000x128xf32, #tpu.memory_space<hbm>>
      tpu.enqueue_indirect_dma source(%dma_start3A_226 : memref<10000x128xf32, #tpu.memory_space<hbm>>) target(%arg12 : memref<80x128xf32, #tpu.memory_space<vmem>>) offsets(%dma_start3A_223 : memref<80xi32, #tpu.memory_space<vmem>>) semaphore(%arg18 : memref<!tpu.dma_semaphore, #tpu.memory_space<semaphore_mem>>)
      %dma_start3A_227 = arith.constant 0 : i32
      %dma_start3A_228 = tpu.memref_slice %arg9[%add3A_220, %dma_start3A_227] : memref<125x80xi32, #tpu.memory_space<vmem>> -> memref<1x80xi32, #tpu.memory_space<vmem>>
      %dma_start3A_229 = tpu.memref_squeeze %dma_start3A_228 : memref<1x80xi32, #tpu.memory_space<vmem>> -> memref<80xi32, #tpu.memory_space<vmem>>
      %dma_start3A_230 = arith.constant 0 : i32
      %dma_start3A_231 = arith.constant 0 : i32
      %dma_start3A_232 = tpu.memref_slice %arg5[%dma_start3A_230, %dma_start3A_231] : memref<10000x16xf32, #tpu.memory_space<hbm>> -> memref<10000x16xf32, #tpu.memory_space<hbm>>
      tpu.enqueue_indirect_dma source(%dma_start3A_232 : memref<10000x16xf32, #tpu.memory_space<hbm>>) target(%arg14 : memref<80x16xf32, #tpu.memory_space<vmem>>) offsets(%dma_start3A_229 : memref<80xi32, #tpu.memory_space<vmem>>) semaphore(%arg18 : memref<!tpu.dma_semaphore, #tpu.memory_space<semaphore_mem>>)
      %dma_start3A_233 = arith.constant 0 : i32
      %dma_start3A_234 = tpu.memref_slice %arg10[%add3A_220, %dma_start3A_233] : memref<125x80xi32, #tpu.memory_space<vmem>> -> memref<1x80xi32, #tpu.memory_space<vmem>>
      %dma_start3A_235 = tpu.memref_squeeze %dma_start3A_234 : memref<1x80xi32, #tpu.memory_space<vmem>> -> memref<80xi32, #tpu.memory_space<vmem>>
      %dma_start3A_236 = arith.constant 0 : i32
      %dma_start3A_237 = arith.constant 0 : i32
      %dma_start3A_238 = tpu.memref_slice %arg6[%dma_start3A_236, %dma_start3A_237] : memref<10000x16xf32, #tpu.memory_space<hbm>> -> memref<10000x16xf32, #tpu.memory_space<hbm>>
      tpu.enqueue_indirect_dma source(%dma_start3A_238 : memref<10000x16xf32, #tpu.memory_space<hbm>>) target(%arg16 : memref<80x16xf32, #tpu.memory_space<vmem>>) offsets(%dma_start3A_235 : memref<80xi32, #tpu.memory_space<vmem>>) semaphore(%arg18 : memref<!tpu.dma_semaphore, #tpu.memory_space<semaphore_mem>>)
      %scan3A_239 = arith.constant 0 : i32
      %scan3A_240 = arith.constant 0 : i32
      %scan3A_241 = arith.constant 80 : i32
      %scan3A_242 = arith.addi %scan3A_240, %scan3A_241 : i32
      %scan3A_243 = arith.constant 1 : i32
      scf.for %scan3A_312 = %scan3A_240 to %scan3A_242 step %scan3A_243  : i32 {
        %get3A = arith.index_cast %scan3A_312 : i32 to index
        %get3A_313 = arith.constant 0 : index
        %get3A_314 = tpu.vector_load %arg13[%get3A, %get3A_313] {strides = array<i32>} : memref<80x16xf32, #tpu.memory_space<vmem>>, vector<1x16xf32>,
        %get3A_315 = vector.shape_cast %get3A_314 : vector<1x16xf32> to vector<16xf32>
        %get3A_316 = arith.index_cast %scan3A_312 : i32 to index
        %get3A_317 = arith.constant 0 : index
        %get3A_318 = tpu.vector_load %arg15[%get3A_316, %get3A_317] {strides = array<i32>} : memref<80x16xf32, #tpu.memory_space<vmem>>, vector<1x16xf32>,
        %get3A_319 = vector.shape_cast %get3A_318 : vector<1x16xf32> to vector<16xf32>
        %add3A_320 = arith.addf %get3A_315, %get3A_319 : vector<16xf32>
        %gt3A_321 = arith.constant 0.000000e+00 : f32
        %gt3A_322 = vector.broadcast %gt3A_321 : f32 to vector<16xf32>
        %gt3A_323 = arith.cmpf ogt, %add3A_320, %gt3A_322 : vector<16xf32>
        %mul3A_324 = arith.constant 2.000000e-01 : f32
        %mul3A_325 = vector.broadcast %mul3A_324 : f32 to vector<16xf32>
        %mul3A_326 = arith.mulf %add3A_320, %mul3A_325 : vector<16xf32>
        %select_n3A = arith.select %gt3A_323, %add3A_320, %mul3A_326 : vector<16xi1>, vector<16xf32>
        %get3A_327 = arith.index_cast %scan3A_312 : i32 to index
        %get3A_328 = arith.constant 0 : index
        %get3A_329 = tpu.vector_load %arg11[%get3A_327, %get3A_328] {strides = array<i32>} : memref<80x128xf32, #tpu.memory_space<vmem>>, vector<1x16xf32>,
        %get3A_330 = vector.shape_cast %get3A_329 : vector<1x16xf32> to vector<16xf32>
        %mul3A_331 = arith.mulf %get3A_330, %select_n3A : vector<16xf32>
        %swap3A = arith.index_cast %scan3A_312 : i32 to index
        %swap3A_332 = arith.constant 0 : index
        %swap3A_333 = tpu.vector_load %arg11[%swap3A, %swap3A_332] {strides = array<i32>} : memref<80x128xf32, #tpu.memory_space<vmem>>, vector<1x16xf32>,
        %swap3A_334 = vector.shape_cast %swap3A_333 : vector<1x16xf32> to vector<16xf32>
        %swap3A_335 = vector.shape_cast %mul3A_331 : vector<16xf32> to vector<1x16xf32>
        tpu.vector_store %arg11[%swap3A, %swap3A_332], %swap3A_335 {strides = array<i32>} : memref<80x128xf32, #tpu.memory_space<vmem>>, vector<1x16xf32>,
        %get3A_336 = arith.index_cast %scan3A_312 : i32 to index
        %get3A_337 = arith.constant 16 : index
        %get3A_338 = tpu.vector_load %arg11[%get3A_336, %get3A_337] {strides = array<i32>} : memref<80x128xf32, #tpu.memory_space<vmem>>, vector<1x16xf32>,
        %get3A_339 = vector.shape_cast %get3A_338 : vector<1x16xf32> to vector<16xf32>
        %mul3A_340 = arith.mulf %get3A_339, %select_n3A : vector<16xf32>
        %swap3A_341 = arith.index_cast %scan3A_312 : i32 to index
        %swap3A_342 = arith.constant 16 : index
        %swap3A_343 = tpu.vector_load %arg11[%swap3A_341, %swap3A_342] {strides = array<i32>} : memref<80x128xf32, #tpu.memory_space<vmem>>, vector<1x16xf32>,
        %swap3A_344 = vector.shape_cast %swap3A_343 : vector<1x16xf32> to vector<16xf32>
        %swap3A_345 = vector.shape_cast %mul3A_340 : vector<16xf32> to vector<1x16xf32>
        tpu.vector_store %arg11[%swap3A_341, %swap3A_342], %swap3A_345 {strides = array<i32>} : memref<80x128xf32, #tpu.memory_space<vmem>>, vector<1x16xf32>,
        %get3A_346 = arith.index_cast %scan3A_312 : i32 to index
        %get3A_347 = arith.constant 32 : index
        %get3A_348 = tpu.vector_load %arg11[%get3A_346, %get3A_347] {strides = array<i32>} : memref<80x128xf32, #tpu.memory_space<vmem>>, vector<1x16xf32>,
        %get3A_349 = vector.shape_cast %get3A_348 : vector<1x16xf32> to vector<16xf32>
        %mul3A_350 = arith.mulf %get3A_349, %select_n3A : vector<16xf32>
        %swap3A_351 = arith.index_cast %scan3A_312 : i32 to index
        %swap3A_352 = arith.constant 32 : index
        %swap3A_353 = tpu.vector_load %arg11[%swap3A_351, %swap3A_352] {strides = array<i32>} : memref<80x128xf32, #tpu.memory_space<vmem>>, vector<1x16xf32>,
        %swap3A_354 = vector.shape_cast %swap3A_353 : vector<1x16xf32> to vector<16xf32>
        %swap3A_355 = vector.shape_cast %mul3A_350 : vector<16xf32> to vector<1x16xf32>
        tpu.vector_store %arg11[%swap3A_351, %swap3A_352], %swap3A_355 {strides = array<i32>} : memref<80x128xf32, #tpu.memory_space<vmem>>, vector<1x16xf32>,
        %get3A_356 = arith.index_cast %scan3A_312 : i32 to index
        %get3A_357 = arith.constant 48 : index
        %get3A_358 = tpu.vector_load %arg11[%get3A_356, %get3A_357] {strides = array<i32>} : memref<80x128xf32, #tpu.memory_space<vmem>>, vector<1x16xf32>,
        %get3A_359 = vector.shape_cast %get3A_358 : vector<1x16xf32> to vector<16xf32>
        %mul3A_360 = arith.mulf %get3A_359, %select_n3A : vector<16xf32>
        %swap3A_361 = arith.index_cast %scan3A_312 : i32 to index
        %swap3A_362 = arith.constant 48 : index
        %swap3A_363 = tpu.vector_load %arg11[%swap3A_361, %swap3A_362] {strides = array<i32>} : memref<80x128xf32, #tpu.memory_space<vmem>>, vector<1x16xf32>,
        %swap3A_364 = vector.shape_cast %swap3A_363 : vector<1x16xf32> to vector<16xf32>
        %swap3A_365 = vector.shape_cast %mul3A_360 : vector<16xf32> to vector<1x16xf32>
        tpu.vector_store %arg11[%swap3A_361, %swap3A_362], %swap3A_365 {strides = array<i32>} : memref<80x128xf32, #tpu.memory_space<vmem>>, vector<1x16xf32>,
        %get3A_366 = arith.index_cast %scan3A_312 : i32 to index
        %get3A_367 = arith.constant 64 : index
        %get3A_368 = tpu.vector_load %arg11[%get3A_366, %get3A_367] {strides = array<i32>} : memref<80x128xf32, #tpu.memory_space<vmem>>, vector<1x16xf32>,
        %get3A_369 = vector.shape_cast %get3A_368 : vector<1x16xf32> to vector<16xf32>
        %mul3A_370 = arith.mulf %get3A_369, %select_n3A : vector<16xf32>
        %swap3A_371 = arith.index_cast %scan3A_312 : i32 to index
        %swap3A_372 = arith.constant 64 : index
        %swap3A_373 = tpu.vector_load %arg11[%swap3A_371, %swap3A_372] {strides = array<i32>} : memref<80x128xf32, #tpu.memory_space<vmem>>, vector<1x16xf32>,
        %swap3A_374 = vector.shape_cast %swap3A_373 : vector<1x16xf32> to vector<16xf32>
        %swap3A_375 = vector.shape_cast %mul3A_370 : vector<16xf32> to vector<1x16xf32>
        tpu.vector_store %arg11[%swap3A_371, %swap3A_372], %swap3A_375 {strides = array<i32>} : memref<80x128xf32, #tpu.memory_space<vmem>>, vector<1x16xf32>,
        %get3A_376 = arith.index_cast %scan3A_312 : i32 to index
        %get3A_377 = arith.constant 80 : index
        %get3A_378 = tpu.vector_load %arg11[%get3A_376, %get3A_377] {strides = array<i32>} : memref<80x128xf32, #tpu.memory_space<vmem>>, vector<1x16xf32>,
        %get3A_379 = vector.shape_cast %get3A_378 : vector<1x16xf32> to vector<16xf32>
        %mul3A_380 = arith.mulf %get3A_379, %select_n3A : vector<16xf32>
        %swap3A_381 = arith.index_cast %scan3A_312 : i32 to index
        %swap3A_382 = arith.constant 80 : index
        %swap3A_383 = tpu.vector_load %arg11[%swap3A_381, %swap3A_382] {strides = array<i32>} : memref<80x128xf32, #tpu.memory_space<vmem>>, vector<1x16xf32>,
        %swap3A_384 = vector.shape_cast %swap3A_383 : vector<1x16xf32> to vector<16xf32>
        %swap3A_385 = vector.shape_cast %mul3A_380 : vector<16xf32> to vector<1x16xf32>
        tpu.vector_store %arg11[%swap3A_381, %swap3A_382], %swap3A_385 {strides = array<i32>} : memref<80x128xf32, #tpu.memory_space<vmem>>, vector<1x16xf32>,
        %get3A_386 = arith.index_cast %scan3A_312 : i32 to index
        %get3A_387 = arith.constant 96 : index
        %get3A_388 = tpu.vector_load %arg11[%get3A_386, %get3A_387] {strides = array<i32>} : memref<80x128xf32, #tpu.memory_space<vmem>>, vector<1x16xf32>,
        %get3A_389 = vector.shape_cast %get3A_388 : vector<1x16xf32> to vector<16xf32>
        %mul3A_390 = arith.mulf %get3A_389, %select_n3A : vector<16xf32>
        %swap3A_391 = arith.index_cast %scan3A_312 : i32 to index
        %swap3A_392 = arith.constant 96 : index
        %swap3A_393 = tpu.vector_load %arg11[%swap3A_391, %swap3A_392] {strides = array<i32>} : memref<80x128xf32, #tpu.memory_space<vmem>>, vector<1x16xf32>,
        %swap3A_394 = vector.shape_cast %swap3A_393 : vector<1x16xf32> to vector<16xf32>
        %swap3A_395 = vector.shape_cast %mul3A_390 : vector<16xf32> to vector<1x16xf32>
        tpu.vector_store %arg11[%swap3A_391, %swap3A_392], %swap3A_395 {strides = array<i32>} : memref<80x128xf32, #tpu.memory_space<vmem>>, vector<1x16xf32>,
        %get3A_396 = arith.index_cast %scan3A_312 : i32 to index
        %get3A_397 = arith.constant 112 : index
        %get3A_398 = tpu.vector_load %arg11[%get3A_396, %get3A_397] {strides = array<i32>} : memref<80x128xf32, #tpu.memory_space<vmem>>, vector<1x16xf32>,
        %get3A_399 = vector.shape_cast %get3A_398 : vector<1x16xf32> to vector<16xf32>
        %mul3A_400 = arith.mulf %get3A_399, %select_n3A : vector<16xf32>
        %swap3A_401 = arith.index_cast %scan3A_312 : i32 to index
        %swap3A_402 = arith.constant 112 : index
        %swap3A_403 = tpu.vector_load %arg11[%swap3A_401, %swap3A_402] {strides = array<i32>} : memref<80x128xf32, #tpu.memory_space<vmem>>, vector<1x16xf32>,
        %swap3A_404 = vector.shape_cast %swap3A_403 : vector<1x16xf32> to vector<16xf32>
        %swap3A_405 = vector.shape_cast %mul3A_400 : vector<16xf32> to vector<1x16xf32>
        tpu.vector_store %arg11[%swap3A_401, %swap3A_402], %swap3A_405 {strides = array<i32>} : memref<80x128xf32, #tpu.memory_space<vmem>>, vector<1x16xf32>,
      }
      %scan3A_244 = arith.constant 80 : i32
      %dma_start3A_245 = arith.constant 0 : i32
      %dma_start3A_246 = tpu.memref_slice %arg9[%mul3A_196, %dma_start3A_245] : memref<125x80xi32, #tpu.memory_space<vmem>> -> memref<1x80xi32, #tpu.memory_space<vmem>>
      %dma_start3A_247 = tpu.memref_squeeze %dma_start3A_246 : memref<1x80xi32, #tpu.memory_space<vmem>> -> memref<80xi32, #tpu.memory_space<vmem>>
      %dma_start3A_248 = arith.constant 0 : i32
      %dma_start3A_249 = arith.constant 0 : i32
      %dma_start3A_250 = tpu.memref_slice %arg8[%dma_start3A_248, %dma_start3A_249] : memref<10000x128xf32, #tpu.memory_space<vmem_shared>> -> memref<10000x128xf32, #tpu.memory_space<vmem_shared>>
      tpu.enqueue_indirect_dma source(%arg11 : memref<80x128xf32, #tpu.memory_space<vmem>>) target(%dma_start3A_250 : memref<10000x128xf32, #tpu.memory_space<vmem_shared>>) offsets(%dma_start3A_247 : memref<80xi32, #tpu.memory_space<vmem>>) semaphore(%arg19 : memref<!tpu.dma_semaphore, #tpu.memory_space<semaphore_mem>>) {add = true}
      %mul3A_251 = arith.constant 2 : i32
      %mul3A_252 = arith.muli %mul3A_251, %scan3A_194 : i32
      %add3A_253 = arith.constant 1 : i32
      %add3A_254 = arith.addi %mul3A_252, %add3A_253 : i32
      %dma_wait3A_255 = arith.constant 0 : i32
      %dma_wait3A_256 = tpu.memref_slice %arg10[%add3A_254, %dma_wait3A_255] : memref<125x80xi32, #tpu.memory_space<vmem>> -> memref<1x80xi32, #tpu.memory_space<vmem>>
      %dma_wait3A_257 = tpu.memref_squeeze %dma_wait3A_256 : memref<1x80xi32, #tpu.memory_space<vmem>> -> memref<80xi32, #tpu.memory_space<vmem>>
      %dma_wait3A_258 = arith.constant 0 : i32
      %dma_wait3A_259 = arith.constant 0 : i32
      %dma_wait3A_260 = tpu.memref_slice %arg4[%dma_wait3A_258, %dma_wait3A_259] : memref<10000x128xf32, #tpu.memory_space<hbm>> -> memref<10000x128xf32, #tpu.memory_space<hbm>>
      tpu.wait_indirect_dma semaphore(%arg18 : memref<!tpu.dma_semaphore, #tpu.memory_space<semaphore_mem>>) src(%dma_wait3A_260 : memref<10000x128xf32, #tpu.memory_space<hbm>>) dst(%arg12 : memref<80x128xf32, #tpu.memory_space<vmem>>)
      %dma_wait3A_261 = arith.constant 0 : i32
      %dma_wait3A_262 = tpu.memref_slice %arg9[%add3A_254, %dma_wait3A_261] : memref<125x80xi32, #tpu.memory_space<vmem>> -> memref<1x80xi32, #tpu.memory_space<vmem>>
      %dma_wait3A_263 = tpu.memref_squeeze %dma_wait3A_262 : memref<1x80xi32, #tpu.memory_space<vmem>> -> memref<80xi32, #tpu.memory_space<vmem>>
      %dma_wait3A_264 = arith.constant 0 : i32
      %dma_wait3A_265 = arith.constant 0 : i32
      %dma_wait3A_266 = tpu.memref_slice %arg5[%dma_wait3A_264, %dma_wait3A_265] : memref<10000x16xf32, #tpu.memory_space<hbm>> -> memref<10000x16xf32, #tpu.memory_space<hbm>>
      tpu.wait_indirect_dma semaphore(%arg18 : memref<!tpu.dma_semaphore, #tpu.memory_space<semaphore_mem>>) src(%dma_wait3A_266 : memref<10000x16xf32, #tpu.memory_space<hbm>>) dst(%arg14 : memref<80x16xf32, #tpu.memory_space<vmem>>)
      %dma_wait3A_267 = arith.constant 0 : i32
      %dma_wait3A_268 = tpu.memref_slice %arg10[%add3A_254, %dma_wait3A_267] : memref<125x80xi32, #tpu.memory_space<vmem>> -> memref<1x80xi32, #tpu.memory_space<vmem>>
      %dma_wait3A_269 = tpu.memref_squeeze %dma_wait3A_268 : memref<1x80xi32, #tpu.memory_space<vmem>> -> memref<80xi32, #tpu.memory_space<vmem>>
      %dma_wait3A_270 = arith.constant 0 : i32
      %dma_wait3A_271 = arith.constant 0 : i32
      %dma_wait3A_272 = tpu.memref_slice %arg6[%dma_wait3A_270, %dma_wait3A_271] : memref<10000x16xf32, #tpu.memory_space<hbm>> -> memref<10000x16xf32, #tpu.memory_space<hbm>>
      tpu.wait_indirect_dma semaphore(%arg18 : memref<!tpu.dma_semaphore, #tpu.memory_space<semaphore_mem>>) src(%dma_wait3A_272 : memref<10000x16xf32, #tpu.memory_space<hbm>>) dst(%arg16 : memref<80x16xf32, #tpu.memory_space<vmem>>)
      %sub3A = arith.constant 1 : i32
      %sub3A_273 = arith.subi %add3A_254, %sub3A : i32
      %dma_wait3A_274 = arith.constant 0 : i32
      %dma_wait3A_275 = tpu.memref_slice %arg9[%sub3A_273, %dma_wait3A_274] : memref<125x80xi32, #tpu.memory_space<vmem>> -> memref<1x80xi32, #tpu.memory_space<vmem>>
      %dma_wait3A_276 = tpu.memref_squeeze %dma_wait3A_275 : memref<1x80xi32, #tpu.memory_space<vmem>> -> memref<80xi32, #tpu.memory_space<vmem>>
      %dma_wait3A_277 = arith.constant 0 : i32
      %dma_wait3A_278 = arith.constant 0 : i32
      %dma_wait3A_279 = tpu.memref_slice %arg8[%dma_wait3A_277, %dma_wait3A_278] : memref<10000x128xf32, #tpu.memory_space<vmem_shared>> -> memref<10000x128xf32, #tpu.memory_space<vmem_shared>>
      tpu.wait_indirect_dma semaphore(%arg19 : memref<!tpu.dma_semaphore, #tpu.memory_space<semaphore_mem>>) src(%arg11 : memref<80x128xf32, #tpu.memory_space<vmem>>) dst(%dma_wait3A_279 : memref<10000x128xf32, #tpu.memory_space<vmem_shared>>)
      %add3A_280 = arith.constant 1 : i32
      %add3A_281 = arith.addi %add3A_254, %add3A_280 : i32
      %dma_start3A_282 = arith.constant 0 : i32
      %dma_start3A_283 = tpu.memref_slice %arg10[%add3A_281, %dma_start3A_282] : memref<125x80xi32, #tpu.memory_space<vmem>> -> memref<1x80xi32, #tpu.memory_space<vmem>>
      %dma_start3A_284 = tpu.memref_squeeze %dma_start3A_283 : memref<1x80xi32, #tpu.memory_space<vmem>> -> memref<80xi32, #tpu.memory_space<vmem>>
      %dma_start3A_285 = arith.constant 0 : i32
      %dma_start3A_286 = arith.constant 0 : i32
      %dma_start3A_287 = tpu.memref_slice %arg4[%dma_start3A_285, %dma_start3A_286] : memref<10000x128xf32, #tpu.memory_space<hbm>> -> memref<10000x128xf32, #tpu.memory_space<hbm>>
      tpu.enqueue_indirect_dma source(%dma_start3A_287 : memref<10000x128xf32, #tpu.memory_space<hbm>>) target(%arg11 : memref<80x128xf32, #tpu.memory_space<vmem>>) offsets(%dma_start3A_284 : memref<80xi32, #tpu.memory_space<vmem>>) semaphore(%arg17 : memref<!tpu.dma_semaphore, #tpu.memory_space<semaphore_mem>>)
      %dma_start3A_288 = arith.constant 0 : i32
      %dma_start3A_289 = tpu.memref_slice %arg9[%add3A_281, %dma_start3A_288] : memref<125x80xi32, #tpu.memory_space<vmem>> -> memref<1x80xi32, #tpu.memory_space<vmem>>
      %dma_start3A_290 = tpu.memref_squeeze %dma_start3A_289 : memref<1x80xi32, #tpu.memory_space<vmem>> -> memref<80xi32, #tpu.memory_space<vmem>>
      %dma_start3A_291 = arith.constant 0 : i32
      %dma_start3A_292 = arith.constant 0 : i32
      %dma_start3A_293 = tpu.memref_slice %arg5[%dma_start3A_291, %dma_start3A_292] : memref<10000x16xf32, #tpu.memory_space<hbm>> -> memref<10000x16xf32, #tpu.memory_space<hbm>>
      tpu.enqueue_indirect_dma source(%dma_start3A_293 : memref<10000x16xf32, #tpu.memory_space<hbm>>) target(%arg13 : memref<80x16xf32, #tpu.memory_space<vmem>>) offsets(%dma_start3A_290 : memref<80xi32, #tpu.memory_space<vmem>>) semaphore(%arg17 : memref<!tpu.dma_semaphore, #tpu.memory_space<semaphore_mem>>)
      %dma_start3A_294 = arith.constant 0 : i32
      %dma_start3A_295 = tpu.memref_slice %arg10[%add3A_281, %dma_start3A_294] : memref<125x80xi32, #tpu.memory_space<vmem>> -> memref<1x80xi32, #tpu.memory_space<vmem>>
      %dma_start3A_296 = tpu.memref_squeeze %dma_start3A_295 : memref<1x80xi32, #tpu.memory_space<vmem>> -> memref<80xi32, #tpu.memory_space<vmem>>
      %dma_start3A_297 = arith.constant 0 : i32
      %dma_start3A_298 = arith.constant 0 : i32
      %dma_start3A_299 = tpu.memref_slice %arg6[%dma_start3A_297, %dma_start3A_298] : memref<10000x16xf32, #tpu.memory_space<hbm>> -> memref<10000x16xf32, #tpu.memory_space<hbm>>
      tpu.enqueue_indirect_dma source(%dma_start3A_299 : memref<10000x16xf32, #tpu.memory_space<hbm>>) target(%arg15 : memref<80x16xf32, #tpu.memory_space<vmem>>) offsets(%dma_start3A_296 : memref<80xi32, #tpu.memory_space<vmem>>) semaphore(%arg17 : memref<!tpu.dma_semaphore, #tpu.memory_space<semaphore_mem>>)
      %scan3A_300 = arith.constant 0 : i32
      %scan3A_301 = arith.constant 0 : i32
      %scan3A_302 = arith.constant 80 : i32
      %scan3A_303 = arith.addi %scan3A_301, %scan3A_302 : i32
      %scan3A_304 = arith.constant 1 : i32
      scf.for %scan3A_312 = %scan3A_301 to %scan3A_303 step %scan3A_304  : i32 {
        %get3A = arith.index_cast %scan3A_312 : i32 to index
        %get3A_313 = arith.constant 0 : index
        %get3A_314 = tpu.vector_load %arg14[%get3A, %get3A_313] {strides = array<i32>} : memref<80x16xf32, #tpu.memory_space<vmem>>, vector<1x16xf32>,
        %get3A_315 = vector.shape_cast %get3A_314 : vector<1x16xf32> to vector<16xf32>
        %get3A_316 = arith.index_cast %scan3A_312 : i32 to index
        %get3A_317 = arith.constant 0 : index
        %get3A_318 = tpu.vector_load %arg16[%get3A_316, %get3A_317] {strides = array<i32>} : memref<80x16xf32, #tpu.memory_space<vmem>>, vector<1x16xf32>,
        %get3A_319 = vector.shape_cast %get3A_318 : vector<1x16xf32> to vector<16xf32>
        %add3A_320 = arith.addf %get3A_315, %get3A_319 : vector<16xf32>
        %gt3A_321 = arith.constant 0.000000e+00 : f32
        %gt3A_322 = vector.broadcast %gt3A_321 : f32 to vector<16xf32>
        %gt3A_323 = arith.cmpf ogt, %add3A_320, %gt3A_322 : vector<16xf32>
        %mul3A_324 = arith.constant 2.000000e-01 : f32
        %mul3A_325 = vector.broadcast %mul3A_324 : f32 to vector<16xf32>
        %mul3A_326 = arith.mulf %add3A_320, %mul3A_325 : vector<16xf32>
        %select_n3A = arith.select %gt3A_323, %add3A_320, %mul3A_326 : vector<16xi1>, vector<16xf32>
        %get3A_327 = arith.index_cast %scan3A_312 : i32 to index
        %get3A_328 = arith.constant 0 : index
        %get3A_329 = tpu.vector_load %arg12[%get3A_327, %get3A_328] {strides = array<i32>} : memref<80x128xf32, #tpu.memory_space<vmem>>, vector<1x16xf32>,
        %get3A_330 = vector.shape_cast %get3A_329 : vector<1x16xf32> to vector<16xf32>
        %mul3A_331 = arith.mulf %get3A_330, %select_n3A : vector<16xf32>
        %swap3A = arith.index_cast %scan3A_312 : i32 to index
        %swap3A_332 = arith.constant 0 : index
        %swap3A_333 = tpu.vector_load %arg12[%swap3A, %swap3A_332] {strides = array<i32>} : memref<80x128xf32, #tpu.memory_space<vmem>>, vector<1x16xf32>,
        %swap3A_334 = vector.shape_cast %swap3A_333 : vector<1x16xf32> to vector<16xf32>
        %swap3A_335 = vector.shape_cast %mul3A_331 : vector<16xf32> to vector<1x16xf32>
        tpu.vector_store %arg12[%swap3A, %swap3A_332], %swap3A_335 {strides = array<i32>} : memref<80x128xf32, #tpu.memory_space<vmem>>, vector<1x16xf32>,
        %get3A_336 = arith.index_cast %scan3A_312 : i32 to index
        %get3A_337 = arith.constant 16 : index
        %get3A_338 = tpu.vector_load %arg12[%get3A_336, %get3A_337] {strides = array<i32>} : memref<80x128xf32, #tpu.memory_space<vmem>>, vector<1x16xf32>,
        %get3A_339 = vector.shape_cast %get3A_338 : vector<1x16xf32> to vector<16xf32>
        %mul3A_340 = arith.mulf %get3A_339, %select_n3A : vector<16xf32>
        %swap3A_341 = arith.index_cast %scan3A_312 : i32 to index
        %swap3A_342 = arith.constant 16 : index
        %swap3A_343 = tpu.vector_load %arg12[%swap3A_341, %swap3A_342] {strides = array<i32>} : memref<80x128xf32, #tpu.memory_space<vmem>>, vector<1x16xf32>,
        %swap3A_344 = vector.shape_cast %swap3A_343 : vector<1x16xf32> to vector<16xf32>
        %swap3A_345 = vector.shape_cast %mul3A_340 : vector<16xf32> to vector<1x16xf32>
        tpu.vector_store %arg12[%swap3A_341, %swap3A_342], %swap3A_345 {strides = array<i32>} : memref<80x128xf32, #tpu.memory_space<vmem>>, vector<1x16xf32>,
        %get3A_346 = arith.index_cast %scan3A_312 : i32 to index
        %get3A_347 = arith.constant 32 : index
        %get3A_348 = tpu.vector_load %arg12[%get3A_346, %get3A_347] {strides = array<i32>} : memref<80x128xf32, #tpu.memory_space<vmem>>, vector<1x16xf32>,
        %get3A_349 = vector.shape_cast %get3A_348 : vector<1x16xf32> to vector<16xf32>
        %mul3A_350 = arith.mulf %get3A_349, %select_n3A : vector<16xf32>
        %swap3A_351 = arith.index_cast %scan3A_312 : i32 to index
        %swap3A_352 = arith.constant 32 : index
        %swap3A_353 = tpu.vector_load %arg12[%swap3A_351, %swap3A_352] {strides = array<i32>} : memref<80x128xf32, #tpu.memory_space<vmem>>, vector<1x16xf32>,
        %swap3A_354 = vector.shape_cast %swap3A_353 : vector<1x16xf32> to vector<16xf32>
        %swap3A_355 = vector.shape_cast %mul3A_350 : vector<16xf32> to vector<1x16xf32>
        tpu.vector_store %arg12[%swap3A_351, %swap3A_352], %swap3A_355 {strides = array<i32>} : memref<80x128xf32, #tpu.memory_space<vmem>>, vector<1x16xf32>,
        %get3A_356 = arith.index_cast %scan3A_312 : i32 to index
        %get3A_357 = arith.constant 48 : index
        %get3A_358 = tpu.vector_load %arg12[%get3A_356, %get3A_357] {strides = array<i32>} : memref<80x128xf32, #tpu.memory_space<vmem>>, vector<1x16xf32>,
        %get3A_359 = vector.shape_cast %get3A_358 : vector<1x16xf32> to vector<16xf32>
        %mul3A_360 = arith.mulf %get3A_359, %select_n3A : vector<16xf32>
        %swap3A_361 = arith.index_cast %scan3A_312 : i32 to index
        %swap3A_362 = arith.constant 48 : index
        %swap3A_363 = tpu.vector_load %arg12[%swap3A_361, %swap3A_362] {strides = array<i32>} : memref<80x128xf32, #tpu.memory_space<vmem>>, vector<1x16xf32>,
        %swap3A_364 = vector.shape_cast %swap3A_363 : vector<1x16xf32> to vector<16xf32>
        %swap3A_365 = vector.shape_cast %mul3A_360 : vector<16xf32> to vector<1x16xf32>
        tpu.vector_store %arg12[%swap3A_361, %swap3A_362], %swap3A_365 {strides = array<i32>} : memref<80x128xf32, #tpu.memory_space<vmem>>, vector<1x16xf32>,
        %get3A_366 = arith.index_cast %scan3A_312 : i32 to index
        %get3A_367 = arith.constant 64 : index
        %get3A_368 = tpu.vector_load %arg12[%get3A_366, %get3A_367] {strides = array<i32>} : memref<80x128xf32, #tpu.memory_space<vmem>>, vector<1x16xf32>,
        %get3A_369 = vector.shape_cast %get3A_368 : vector<1x16xf32> to vector<16xf32>
        %mul3A_370 = arith.mulf %get3A_369, %select_n3A : vector<16xf32>
        %swap3A_371 = arith.index_cast %scan3A_312 : i32 to index
        %swap3A_372 = arith.constant 64 : index
        %swap3A_373 = tpu.vector_load %arg12[%swap3A_371, %swap3A_372] {strides = array<i32>} : memref<80x128xf32, #tpu.memory_space<vmem>>, vector<1x16xf32>,
        %swap3A_374 = vector.shape_cast %swap3A_373 : vector<1x16xf32> to vector<16xf32>
        %swap3A_375 = vector.shape_cast %mul3A_370 : vector<16xf32> to vector<1x16xf32>
        tpu.vector_store %arg12[%swap3A_371, %swap3A_372], %swap3A_375 {strides = array<i32>} : memref<80x128xf32, #tpu.memory_space<vmem>>, vector<1x16xf32>,
        %get3A_376 = arith.index_cast %scan3A_312 : i32 to index
        %get3A_377 = arith.constant 80 : index
        %get3A_378 = tpu.vector_load %arg12[%get3A_376, %get3A_377] {strides = array<i32>} : memref<80x128xf32, #tpu.memory_space<vmem>>, vector<1x16xf32>,
        %get3A_379 = vector.shape_cast %get3A_378 : vector<1x16xf32> to vector<16xf32>
        %mul3A_380 = arith.mulf %get3A_379, %select_n3A : vector<16xf32>
        %swap3A_381 = arith.index_cast %scan3A_312 : i32 to index
        %swap3A_382 = arith.constant 80 : index
        %swap3A_383 = tpu.vector_load %arg12[%swap3A_381, %swap3A_382] {strides = array<i32>} : memref<80x128xf32, #tpu.memory_space<vmem>>, vector<1x16xf32>,
        %swap3A_384 = vector.shape_cast %swap3A_383 : vector<1x16xf32> to vector<16xf32>
        %swap3A_385 = vector.shape_cast %mul3A_380 : vector<16xf32> to vector<1x16xf32>
        tpu.vector_store %arg12[%swap3A_381, %swap3A_382], %swap3A_385 {strides = array<i32>} : memref<80x128xf32, #tpu.memory_space<vmem>>, vector<1x16xf32>,
        %get3A_386 = arith.index_cast %scan3A_312 : i32 to index
        %get3A_387 = arith.constant 96 : index
        %get3A_388 = tpu.vector_load %arg12[%get3A_386, %get3A_387] {strides = array<i32>} : memref<80x128xf32, #tpu.memory_space<vmem>>, vector<1x16xf32>,
        %get3A_389 = vector.shape_cast %get3A_388 : vector<1x16xf32> to vector<16xf32>
        %mul3A_390 = arith.mulf %get3A_389, %select_n3A : vector<16xf32>
        %swap3A_391 = arith.index_cast %scan3A_312 : i32 to index
        %swap3A_392 = arith.constant 96 : index
        %swap3A_393 = tpu.vector_load %arg12[%swap3A_391, %swap3A_392] {strides = array<i32>} : memref<80x128xf32, #tpu.memory_space<vmem>>, vector<1x16xf32>,
        %swap3A_394 = vector.shape_cast %swap3A_393 : vector<1x16xf32> to vector<16xf32>
        %swap3A_395 = vector.shape_cast %mul3A_390 : vector<16xf32> to vector<1x16xf32>
        tpu.vector_store %arg12[%swap3A_391, %swap3A_392], %swap3A_395 {strides = array<i32>} : memref<80x128xf32, #tpu.memory_space<vmem>>, vector<1x16xf32>,
        %get3A_396 = arith.index_cast %scan3A_312 : i32 to index
        %get3A_397 = arith.constant 112 : index
        %get3A_398 = tpu.vector_load %arg12[%get3A_396, %get3A_397] {strides = array<i32>} : memref<80x128xf32, #tpu.memory_space<vmem>>, vector<1x16xf32>,
        %get3A_399 = vector.shape_cast %get3A_398 : vector<1x16xf32> to vector<16xf32>
        %mul3A_400 = arith.mulf %get3A_399, %select_n3A : vector<16xf32>
        %swap3A_401 = arith.index_cast %scan3A_312 : i32 to index
        %swap3A_402 = arith.constant 112 : index
        %swap3A_403 = tpu.vector_load %arg12[%swap3A_401, %swap3A_402] {strides = array<i32>} : memref<80x128xf32, #tpu.memory_space<vmem>>, vector<1x16xf32>,
        %swap3A_404 = vector.shape_cast %swap3A_403 : vector<1x16xf32> to vector<16xf32>
        %swap3A_405 = vector.shape_cast %mul3A_400 : vector<16xf32> to vector<1x16xf32>
        tpu.vector_store %arg12[%swap3A_401, %swap3A_402], %swap3A_405 {strides = array<i32>} : memref<80x128xf32, #tpu.memory_space<vmem>>, vector<1x16xf32>,
      }
      %scan3A_305 = arith.constant 80 : i32
      %dma_start3A_306 = arith.constant 0 : i32
      %dma_start3A_307 = tpu.memref_slice %arg9[%add3A_254, %dma_start3A_306] : memref<125x80xi32, #tpu.memory_space<vmem>> -> memref<1x80xi32, #tpu.memory_space<vmem>>
      %dma_start3A_308 = tpu.memref_squeeze %dma_start3A_307 : memref<1x80xi32, #tpu.memory_space<vmem>> -> memref<80xi32, #tpu.memory_space<vmem>>
      %dma_start3A_309 = arith.constant 0 : i32
      %dma_start3A_310 = arith.constant 0 : i32
      %dma_start3A_311 = tpu.memref_slice %arg8[%dma_start3A_309, %dma_start3A_310] : memref<10000x128xf32, #tpu.memory_space<vmem_shared>> -> memref<10000x128xf32, #tpu.memory_space<vmem_shared>>
      tpu.enqueue_indirect_dma source(%arg12 : memref<80x128xf32, #tpu.memory_space<vmem>>) target(%dma_start3A_311 : memref<10000x128xf32, #tpu.memory_space<vmem_shared>>) offsets(%dma_start3A_308 : memref<80xi32, #tpu.memory_space<vmem>>) semaphore(%arg20 : memref<!tpu.dma_semaphore, #tpu.memory_space<semaphore_mem>>) {add = true}
    }
    %scan3A_89 = arith.constant 62 : i32
    %dma_wait3A = arith.constant 124 : i32
    %dma_wait3A_90 = arith.constant 0 : i32
    %dma_wait3A_91 = tpu.memref_slice %arg10[%dma_wait3A, %dma_wait3A_90] : memref<125x80xi32, #tpu.memory_space<vmem>> -> memref<1x80xi32, #tpu.memory_space<vmem>>
    %dma_wait3A_92 = tpu.memref_squeeze %dma_wait3A_91 : memref<1x80xi32, #tpu.memory_space<vmem>> -> memref<80xi32, #tpu.memory_space<vmem>>
    %dma_wait3A_93 = arith.constant 0 : i32
    %dma_wait3A_94 = arith.constant 0 : i32
    %dma_wait3A_95 = tpu.memref_slice %arg4[%dma_wait3A_93, %dma_wait3A_94] : memref<10000x128xf32, #tpu.memory_space<hbm>> -> memref<10000x128xf32, #tpu.memory_space<hbm>>
    tpu.wait_indirect_dma semaphore(%arg17 : memref<!tpu.dma_semaphore, #tpu.memory_space<semaphore_mem>>) src(%dma_wait3A_95 : memref<10000x128xf32, #tpu.memory_space<hbm>>) dst(%arg11 : memref<80x128xf32, #tpu.memory_space<vmem>>)
    %dma_wait3A_96 = arith.constant 124 : i32
    %dma_wait3A_97 = arith.constant 0 : i32
    %dma_wait3A_98 = tpu.memref_slice %arg9[%dma_wait3A_96, %dma_wait3A_97] : memref<125x80xi32, #tpu.memory_space<vmem>> -> memref<1x80xi32, #tpu.memory_space<vmem>>
    %dma_wait3A_99 = tpu.memref_squeeze %dma_wait3A_98 : memref<1x80xi32, #tpu.memory_space<vmem>> -> memref<80xi32, #tpu.memory_space<vmem>>
    %dma_wait3A_100 = arith.constant 0 : i32
    %dma_wait3A_101 = arith.constant 0 : i32
    %dma_wait3A_102 = tpu.memref_slice %arg5[%dma_wait3A_100, %dma_wait3A_101] : memref<10000x16xf32, #tpu.memory_space<hbm>> -> memref<10000x16xf32, #tpu.memory_space<hbm>>
    tpu.wait_indirect_dma semaphore(%arg17 : memref<!tpu.dma_semaphore, #tpu.memory_space<semaphore_mem>>) src(%dma_wait3A_102 : memref<10000x16xf32, #tpu.memory_space<hbm>>) dst(%arg13 : memref<80x16xf32, #tpu.memory_space<vmem>>)
    %dma_wait3A_103 = arith.constant 124 : i32
    %dma_wait3A_104 = arith.constant 0 : i32
    %dma_wait3A_105 = tpu.memref_slice %arg10[%dma_wait3A_103, %dma_wait3A_104] : memref<125x80xi32, #tpu.memory_space<vmem>> -> memref<1x80xi32, #tpu.memory_space<vmem>>
    %dma_wait3A_106 = tpu.memref_squeeze %dma_wait3A_105 : memref<1x80xi32, #tpu.memory_space<vmem>> -> memref<80xi32, #tpu.memory_space<vmem>>
    %dma_wait3A_107 = arith.constant 0 : i32
    %dma_wait3A_108 = arith.constant 0 : i32
    %dma_wait3A_109 = tpu.memref_slice %arg6[%dma_wait3A_107, %dma_wait3A_108] : memref<10000x16xf32, #tpu.memory_space<hbm>> -> memref<10000x16xf32, #tpu.memory_space<hbm>>
    tpu.wait_indirect_dma semaphore(%arg17 : memref<!tpu.dma_semaphore, #tpu.memory_space<semaphore_mem>>) src(%dma_wait3A_109 : memref<10000x16xf32, #tpu.memory_space<hbm>>) dst(%arg15 : memref<80x16xf32, #tpu.memory_space<vmem>>)
    %dma_wait3A_110 = arith.constant 123 : i32
    %dma_wait3A_111 = arith.constant 0 : i32
    %dma_wait3A_112 = tpu.memref_slice %arg9[%dma_wait3A_110, %dma_wait3A_111] : memref<125x80xi32, #tpu.memory_space<vmem>> -> memref<1x80xi32, #tpu.memory_space<vmem>>
    %dma_wait3A_113 = tpu.memref_squeeze %dma_wait3A_112 : memref<1x80xi32, #tpu.memory_space<vmem>> -> memref<80xi32, #tpu.memory_space<vmem>>
    %dma_wait3A_114 = arith.constant 0 : i32
    %dma_wait3A_115 = arith.constant 0 : i32
    %dma_wait3A_116 = tpu.memref_slice %arg8[%dma_wait3A_114, %dma_wait3A_115] : memref<10000x128xf32, #tpu.memory_space<vmem_shared>> -> memref<10000x128xf32, #tpu.memory_space<vmem_shared>>
    tpu.wait_indirect_dma semaphore(%arg20 : memref<!tpu.dma_semaphore, #tpu.memory_space<semaphore_mem>>) src(%arg12 : memref<80x128xf32, #tpu.memory_space<vmem>>) dst(%dma_wait3A_116 : memref<10000x128xf32, #tpu.memory_space<vmem_shared>>)
    %scan3A_117 = arith.constant 0 : i32
    %scan3A_118 = arith.constant 0 : i32
    %scan3A_119 = arith.constant 80 : i32
    %scan3A_120 = arith.addi %scan3A_118, %scan3A_119 : i32
    %scan3A_121 = arith.constant 1 : i32
    scf.for %scan3A_194 = %scan3A_118 to %scan3A_120 step %scan3A_121  : i32 {
      %get3A = arith.index_cast %scan3A_194 : i32 to index
      %get3A_195 = arith.constant 0 : index
      %get3A_196 = tpu.vector_load %arg13[%get3A, %get3A_195] {strides = array<i32>} : memref<80x16xf32, #tpu.memory_space<vmem>>, vector<1x16xf32>,
      %get3A_197 = vector.shape_cast %get3A_196 : vector<1x16xf32> to vector<16xf32>
      %get3A_198 = arith.index_cast %scan3A_194 : i32 to index
      %get3A_199 = arith.constant 0 : index
      %get3A_200 = tpu.vector_load %arg15[%get3A_198, %get3A_199] {strides = array<i32>} : memref<80x16xf32, #tpu.memory_space<vmem>>, vector<1x16xf32>,
      %get3A_201 = vector.shape_cast %get3A_200 : vector<1x16xf32> to vector<16xf32>
      %add3A_202 = arith.addf %get3A_197, %get3A_201 : vector<16xf32>
      %gt3A = arith.constant 0.000000e+00 : f32
      %gt3A_203 = vector.broadcast %gt3A : f32 to vector<16xf32>
      %gt3A_204 = arith.cmpf ogt, %add3A_202, %gt3A_203 : vector<16xf32>
      %mul3A_205 = arith.constant 2.000000e-01 : f32
      %mul3A_206 = vector.broadcast %mul3A_205 : f32 to vector<16xf32>
      %mul3A_207 = arith.mulf %add3A_202, %mul3A_206 : vector<16xf32>
      %select_n3A = arith.select %gt3A_204, %add3A_202, %mul3A_207 : vector<16xi1>, vector<16xf32>
      %get3A_208 = arith.index_cast %scan3A_194 : i32 to index
      %get3A_209 = arith.constant 0 : index
      %get3A_210 = tpu.vector_load %arg11[%get3A_208, %get3A_209] {strides = array<i32>} : memref<80x128xf32, #tpu.memory_space<vmem>>, vector<1x16xf32>,
      %get3A_211 = vector.shape_cast %get3A_210 : vector<1x16xf32> to vector<16xf32>
      %mul3A_212 = arith.mulf %get3A_211, %select_n3A : vector<16xf32>
      %swap3A = arith.index_cast %scan3A_194 : i32 to index
      %swap3A_213 = arith.constant 0 : index
      %swap3A_214 = tpu.vector_load %arg11[%swap3A, %swap3A_213] {strides = array<i32>} : memref<80x128xf32, #tpu.memory_space<vmem>>, vector<1x16xf32>,
      %swap3A_215 = vector.shape_cast %swap3A_214 : vector<1x16xf32> to vector<16xf32>
      %swap3A_216 = vector.shape_cast %mul3A_212 : vector<16xf32> to vector<1x16xf32>
      tpu.vector_store %arg11[%swap3A, %swap3A_213], %swap3A_216 {strides = array<i32>} : memref<80x128xf32, #tpu.memory_space<vmem>>, vector<1x16xf32>,
      %get3A_217 = arith.index_cast %scan3A_194 : i32 to index
      %get3A_218 = arith.constant 16 : index
      %get3A_219 = tpu.vector_load %arg11[%get3A_217, %get3A_218] {strides = array<i32>} : memref<80x128xf32, #tpu.memory_space<vmem>>, vector<1x16xf32>,
      %get3A_220 = vector.shape_cast %get3A_219 : vector<1x16xf32> to vector<16xf32>
      %mul3A_221 = arith.mulf %get3A_220, %select_n3A : vector<16xf32>
      %swap3A_222 = arith.index_cast %scan3A_194 : i32 to index
      %swap3A_223 = arith.constant 16 : index
      %swap3A_224 = tpu.vector_load %arg11[%swap3A_222, %swap3A_223] {strides = array<i32>} : memref<80x128xf32, #tpu.memory_space<vmem>>, vector<1x16xf32>,
      %swap3A_225 = vector.shape_cast %swap3A_224 : vector<1x16xf32> to vector<16xf32>
      %swap3A_226 = vector.shape_cast %mul3A_221 : vector<16xf32> to vector<1x16xf32>
      tpu.vector_store %arg11[%swap3A_222, %swap3A_223], %swap3A_226 {strides = array<i32>} : memref<80x128xf32, #tpu.memory_space<vmem>>, vector<1x16xf32>,
      %get3A_227 = arith.index_cast %scan3A_194 : i32 to index
      %get3A_228 = arith.constant 32 : index
      %get3A_229 = tpu.vector_load %arg11[%get3A_227, %get3A_228] {strides = array<i32>} : memref<80x128xf32, #tpu.memory_space<vmem>>, vector<1x16xf32>,
      %get3A_230 = vector.shape_cast %get3A_229 : vector<1x16xf32> to vector<16xf32>
      %mul3A_231 = arith.mulf %get3A_230, %select_n3A : vector<16xf32>
      %swap3A_232 = arith.index_cast %scan3A_194 : i32 to index
      %swap3A_233 = arith.constant 32 : index
      %swap3A_234 = tpu.vector_load %arg11[%swap3A_232, %swap3A_233] {strides = array<i32>} : memref<80x128xf32, #tpu.memory_space<vmem>>, vector<1x16xf32>,
      %swap3A_235 = vector.shape_cast %swap3A_234 : vector<1x16xf32> to vector<16xf32>
      %swap3A_236 = vector.shape_cast %mul3A_231 : vector<16xf32> to vector<1x16xf32>
      tpu.vector_store %arg11[%swap3A_232, %swap3A_233], %swap3A_236 {strides = array<i32>} : memref<80x128xf32, #tpu.memory_space<vmem>>, vector<1x16xf32>,
      %get3A_237 = arith.index_cast %scan3A_194 : i32 to index
      %get3A_238 = arith.constant 48 : index
      %get3A_239 = tpu.vector_load %arg11[%get3A_237, %get3A_238] {strides = array<i32>} : memref<80x128xf32, #tpu.memory_space<vmem>>, vector<1x16xf32>,
      %get3A_240 = vector.shape_cast %get3A_239 : vector<1x16xf32> to vector<16xf32>
      %mul3A_241 = arith.mulf %get3A_240, %select_n3A : vector<16xf32>
      %swap3A_242 = arith.index_cast %scan3A_194 : i32 to index
      %swap3A_243 = arith.constant 48 : index
      %swap3A_244 = tpu.vector_load %arg11[%swap3A_242, %swap3A_243] {strides = array<i32>} : memref<80x128xf32, #tpu.memory_space<vmem>>, vector<1x16xf32>,
      %swap3A_245 = vector.shape_cast %swap3A_244 : vector<1x16xf32> to vector<16xf32>
      %swap3A_246 = vector.shape_cast %mul3A_241 : vector<16xf32> to vector<1x16xf32>
      tpu.vector_store %arg11[%swap3A_242, %swap3A_243], %swap3A_246 {strides = array<i32>} : memref<80x128xf32, #tpu.memory_space<vmem>>, vector<1x16xf32>,
      %get3A_247 = arith.index_cast %scan3A_194 : i32 to index
      %get3A_248 = arith.constant 64 : index
      %get3A_249 = tpu.vector_load %arg11[%get3A_247, %get3A_248] {strides = array<i32>} : memref<80x128xf32, #tpu.memory_space<vmem>>, vector<1x16xf32>,
      %get3A_250 = vector.shape_cast %get3A_249 : vector<1x16xf32> to vector<16xf32>
      %mul3A_251 = arith.mulf %get3A_250, %select_n3A : vector<16xf32>
      %swap3A_252 = arith.index_cast %scan3A_194 : i32 to index
      %swap3A_253 = arith.constant 64 : index
      %swap3A_254 = tpu.vector_load %arg11[%swap3A_252, %swap3A_253] {strides = array<i32>} : memref<80x128xf32, #tpu.memory_space<vmem>>, vector<1x16xf32>,
      %swap3A_255 = vector.shape_cast %swap3A_254 : vector<1x16xf32> to vector<16xf32>
      %swap3A_256 = vector.shape_cast %mul3A_251 : vector<16xf32> to vector<1x16xf32>
      tpu.vector_store %arg11[%swap3A_252, %swap3A_253], %swap3A_256 {strides = array<i32>} : memref<80x128xf32, #tpu.memory_space<vmem>>, vector<1x16xf32>,
      %get3A_257 = arith.index_cast %scan3A_194 : i32 to index
      %get3A_258 = arith.constant 80 : index
      %get3A_259 = tpu.vector_load %arg11[%get3A_257, %get3A_258] {strides = array<i32>} : memref<80x128xf32, #tpu.memory_space<vmem>>, vector<1x16xf32>,
      %get3A_260 = vector.shape_cast %get3A_259 : vector<1x16xf32> to vector<16xf32>
      %mul3A_261 = arith.mulf %get3A_260, %select_n3A : vector<16xf32>
      %swap3A_262 = arith.index_cast %scan3A_194 : i32 to index
      %swap3A_263 = arith.constant 80 : index
      %swap3A_264 = tpu.vector_load %arg11[%swap3A_262, %swap3A_263] {strides = array<i32>} : memref<80x128xf32, #tpu.memory_space<vmem>>, vector<1x16xf32>,
      %swap3A_265 = vector.shape_cast %swap3A_264 : vector<1x16xf32> to vector<16xf32>
      %swap3A_266 = vector.shape_cast %mul3A_261 : vector<16xf32> to vector<1x16xf32>
      tpu.vector_store %arg11[%swap3A_262, %swap3A_263], %swap3A_266 {strides = array<i32>} : memref<80x128xf32, #tpu.memory_space<vmem>>, vector<1x16xf32>,
      %get3A_267 = arith.index_cast %scan3A_194 : i32 to index
      %get3A_268 = arith.constant 96 : index
      %get3A_269 = tpu.vector_load %arg11[%get3A_267, %get3A_268] {strides = array<i32>} : memref<80x128xf32, #tpu.memory_space<vmem>>, vector<1x16xf32>,
      %get3A_270 = vector.shape_cast %get3A_269 : vector<1x16xf32> to vector<16xf32>
      %mul3A_271 = arith.mulf %get3A_270, %select_n3A : vector<16xf32>
      %swap3A_272 = arith.index_cast %scan3A_194 : i32 to index
      %swap3A_273 = arith.constant 96 : index
      %swap3A_274 = tpu.vector_load %arg11[%swap3A_272, %swap3A_273] {strides = array<i32>} : memref<80x128xf32, #tpu.memory_space<vmem>>, vector<1x16xf32>,
      %swap3A_275 = vector.shape_cast %swap3A_274 : vector<1x16xf32> to vector<16xf32>
      %swap3A_276 = vector.shape_cast %mul3A_271 : vector<16xf32> to vector<1x16xf32>
      tpu.vector_store %arg11[%swap3A_272, %swap3A_273], %swap3A_276 {strides = array<i32>} : memref<80x128xf32, #tpu.memory_space<vmem>>, vector<1x16xf32>,
      %get3A_277 = arith.index_cast %scan3A_194 : i32 to index
      %get3A_278 = arith.constant 112 : index
      %get3A_279 = tpu.vector_load %arg11[%get3A_277, %get3A_278] {strides = array<i32>} : memref<80x128xf32, #tpu.memory_space<vmem>>, vector<1x16xf32>,
      %get3A_280 = vector.shape_cast %get3A_279 : vector<1x16xf32> to vector<16xf32>
      %mul3A_281 = arith.mulf %get3A_280, %select_n3A : vector<16xf32>
      %swap3A_282 = arith.index_cast %scan3A_194 : i32 to index
      %swap3A_283 = arith.constant 112 : index
      %swap3A_284 = tpu.vector_load %arg11[%swap3A_282, %swap3A_283] {strides = array<i32>} : memref<80x128xf32, #tpu.memory_space<vmem>>, vector<1x16xf32>,
      %swap3A_285 = vector.shape_cast %swap3A_284 : vector<1x16xf32> to vector<16xf32>
      %swap3A_286 = vector.shape_cast %mul3A_281 : vector<16xf32> to vector<1x16xf32>
      tpu.vector_store %arg11[%swap3A_282, %swap3A_283], %swap3A_286 {strides = array<i32>} : memref<80x128xf32, #tpu.memory_space<vmem>>, vector<1x16xf32>,
    }
    %scan3A_122 = arith.constant 80 : i32
    %dma_start3A_123 = arith.constant 124 : i32
    %dma_start3A_124 = arith.constant 0 : i32
    %dma_start3A_125 = tpu.memref_slice %arg9[%dma_start3A_123, %dma_start3A_124] : memref<125x80xi32, #tpu.memory_space<vmem>> -> memref<1x80xi32, #tpu.memory_space<vmem>>
    %dma_start3A_126 = tpu.memref_squeeze %dma_start3A_125 : memref<1x80xi32, #tpu.memory_space<vmem>> -> memref<80xi32, #tpu.memory_space<vmem>>
    %dma_start3A_127 = arith.constant 0 : i32
    %dma_start3A_128 = arith.constant 0 : i32
    %dma_start3A_129 = tpu.memref_slice %arg8[%dma_start3A_127, %dma_start3A_128] : memref<10000x128xf32, #tpu.memory_space<vmem_shared>> -> memref<10000x128xf32, #tpu.memory_space<vmem_shared>>
    tpu.enqueue_indirect_dma source(%arg11 : memref<80x128xf32, #tpu.memory_space<vmem>>) target(%dma_start3A_129 : memref<10000x128xf32, #tpu.memory_space<vmem_shared>>) offsets(%dma_start3A_126 : memref<80xi32, #tpu.memory_space<vmem>>) semaphore(%arg19 : memref<!tpu.dma_semaphore, #tpu.memory_space<semaphore_mem>>) {add = true}
    %dma_wait3A_130 = arith.constant 124 : i32
    %dma_wait3A_131 = arith.constant 0 : i32
    %dma_wait3A_132 = tpu.memref_slice %arg9[%dma_wait3A_130, %dma_wait3A_131] : memref<125x80xi32, #tpu.memory_space<vmem>> -> memref<1x80xi32, #tpu.memory_space<vmem>>
    %dma_wait3A_133 = tpu.memref_squeeze %dma_wait3A_132 : memref<1x80xi32, #tpu.memory_space<vmem>> -> memref<80xi32, #tpu.memory_space<vmem>>
    %dma_wait3A_134 = arith.constant 0 : i32
    %dma_wait3A_135 = arith.constant 0 : i32
    %dma_wait3A_136 = tpu.memref_slice %arg8[%dma_wait3A_134, %dma_wait3A_135] : memref<10000x128xf32, #tpu.memory_space<vmem_shared>> -> memref<10000x128xf32, #tpu.memory_space<vmem_shared>>
    tpu.wait_indirect_dma semaphore(%arg19 : memref<!tpu.dma_semaphore, #tpu.memory_space<semaphore_mem>>) src(%arg11 : memref<80x128xf32, #tpu.memory_space<vmem>>) dst(%dma_wait3A_136 : memref<10000x128xf32, #tpu.memory_space<vmem_shared>>)
    %barrier3A_137 = arith.constant 0 : index
    tpu.barrier barrier_id(%barrier3A_137)
    %add3A_138 = arith.constant 0 : i32
    %add3A_139 = arith.addi %add3A_138, %arg1 : i32
    %lt3A_140 = arith.constant 125 : i32
    %lt3A_141 = arith.cmpi slt, %add3A_139, %lt3A_140 : i32
    %convert_element_type3A_142 = arith.extui %lt3A_141 : i1 to i32
    %cond3A_143 = arith.constant 0 : i32
    %cond3A_144 = arith.cmpi ne, %convert_element_type3A_142, %cond3A_143 : i32
    scf.if %cond3A_144 {
      %mul3A_194 = arith.constant 80 : i32
      %mul3A_195 = arith.muli %add3A_139, %mul3A_194 : i32
      "tpu.region"() ({
        %run_scoped3A = tpu.sem_alloc : memref<!tpu.dma_semaphore, #tpu.memory_space<semaphore_mem>>
        %dma_start3A_198 = arith.constant 0 : i32
        %dma_start3A_199 = tpu.memref_slice %arg8[%mul3A_195, %dma_start3A_198] : memref<10000x128xf32, #tpu.memory_space<vmem_shared>> -> memref<80x128xf32, #tpu.memory_space<vmem_shared>>
        %dma_start3A_200 = arith.constant 0 : i32
        %dma_start3A_201 = tpu.memref_slice %arg8[%mul3A_195, %dma_start3A_200] : memref<10000x128xf32, #tpu.memory_space<vmem_shared>> -> memref<80x128xf32, #tpu.memory_space<vmem_shared>>
        tpu.enqueue_dma source(%dma_start3A_201 : memref<80x128xf32, #tpu.memory_space<vmem_shared>>) target(%arg11 : memref<80x128xf32, #tpu.memory_space<vmem>>) target_semaphore(%run_scoped3A : memref<!tpu.dma_semaphore, #tpu.memory_space<semaphore_mem>>)
        %dma_wait3A_202 = arith.constant 0 : i32
        %dma_wait3A_203 = tpu.memref_slice %arg8[%mul3A_195, %dma_wait3A_202] : memref<10000x128xf32, #tpu.memory_space<vmem_shared>> -> memref<80x128xf32, #tpu.memory_space<vmem_shared>>
        %dma_wait3A_204 = arith.constant 0 : i32
        %dma_wait3A_205 = tpu.memref_slice %arg8[%mul3A_195, %dma_wait3A_204] : memref<10000x128xf32, #tpu.memory_space<vmem_shared>> -> memref<80x128xf32, #tpu.memory_space<vmem_shared>>
        tpu.wait_dma2 semaphore(%run_scoped3A : memref<!tpu.dma_semaphore, #tpu.memory_space<semaphore_mem>>) src(%dma_wait3A_205 : memref<80x128xf32, #tpu.memory_space<vmem_shared>>) dst(%arg11 : memref<80x128xf32, #tpu.memory_space<vmem>>)
        tpu.yield
      }) : () -> ()
      %mul3A_196 = arith.constant 80 : i32
      %mul3A_197 = arith.muli %add3A_139, %mul3A_196 : i32
      "tpu.region"() ({
        %run_scoped3A = tpu.sem_alloc : memref<!tpu.dma_semaphore, #tpu.memory_space<semaphore_mem>>
        %dma_start3A_198 = arith.constant 0 : i32
        %dma_start3A_199 = tpu.memref_slice %arg7[%arg0, %mul3A_197, %dma_start3A_198] : memref<2x10000x128xf32, #tpu.memory_space<hbm>> -> memref<1x80x128xf32, #tpu.memory_space<hbm>>
        %dma_start3A_200 = tpu.memref_squeeze %dma_start3A_199 : memref<1x80x128xf32, #tpu.memory_space<hbm>> -> memref<80x128xf32, #tpu.memory_space<hbm>>
        %dma_start3A_201 = arith.constant 0 : i32
        %dma_start3A_202 = tpu.memref_slice %arg7[%arg0, %mul3A_197, %dma_start3A_201] : memref<2x10000x128xf32, #tpu.memory_space<hbm>> -> memref<1x80x128xf32, #tpu.memory_space<hbm>>
        %dma_start3A_203 = tpu.memref_squeeze %dma_start3A_202 : memref<1x80x128xf32, #tpu.memory_space<hbm>> -> memref<80x128xf32, #tpu.memory_space<hbm>>
        tpu.enqueue_dma source(%arg11 : memref<80x128xf32, #tpu.memory_space<vmem>>) target(%dma_start3A_203 : memref<80x128xf32, #tpu.memory_space<hbm>>) target_semaphore(%run_scoped3A : memref<!tpu.dma_semaphore, #tpu.memory_space<semaphore_mem>>)
        %dma_wait3A_204 = arith.constant 0 : i32
        %dma_wait3A_205 = tpu.memref_slice %arg7[%arg0, %mul3A_197, %dma_wait3A_204] : memref<2x10000x128xf32, #tpu.memory_space<hbm>> -> memref<1x80x128xf32, #tpu.memory_space<hbm>>
        %dma_wait3A_206 = tpu.memref_squeeze %dma_wait3A_205 : memref<1x80x128xf32, #tpu.memory_space<hbm>> -> memref<80x128xf32, #tpu.memory_space<hbm>>
        %dma_wait3A_207 = arith.constant 0 : i32
        %dma_wait3A_208 = tpu.memref_slice %arg7[%arg0, %mul3A_197, %dma_wait3A_207] : memref<2x10000x128xf32, #tpu.memory_space<hbm>> -> memref<1x80x128xf32, #tpu.memory_space<hbm>>
        %dma_wait3A_209 = tpu.memref_squeeze %dma_wait3A_208 : memref<1x80x128xf32, #tpu.memory_space<hbm>> -> memref<80x128xf32, #tpu.memory_space<hbm>>
        tpu.wait_dma2 semaphore(%run_scoped3A : memref<!tpu.dma_semaphore, #tpu.memory_space<semaphore_mem>>) src(%arg11 : memref<80x128xf32, #tpu.memory_space<vmem>>) dst(%dma_wait3A_209 : memref<80x128xf32, #tpu.memory_space<hbm>>)
        tpu.yield
      }) : () -> ()
    } else {
    }
    %add3A_145 = arith.constant 16 : i32
    %add3A_146 = arith.addi %add3A_145, %arg1 : i32
    %lt3A_147 = arith.constant 125 : i32
    %lt3A_148 = arith.cmpi slt, %add3A_146, %lt3A_147 : i32
    %convert_element_type3A_149 = arith.extui %lt3A_148 : i1 to i32
    %cond3A_150 = arith.constant 0 : i32
    %cond3A_151 = arith.cmpi ne, %convert_element_type3A_149, %cond3A_150 : i32
    scf.if %cond3A_151 {
      %mul3A_194 = arith.constant 80 : i32
      %mul3A_195 = arith.muli %add3A_146, %mul3A_194 : i32
      "tpu.region"() ({
        %run_scoped3A = tpu.sem_alloc : memref<!tpu.dma_semaphore, #tpu.memory_space<semaphore_mem>>
        %dma_start3A_198 = arith.constant 0 : i32
        %dma_start3A_199 = tpu.memref_slice %arg8[%mul3A_195, %dma_start3A_198] : memref<10000x128xf32, #tpu.memory_space<vmem_shared>> -> memref<80x128xf32, #tpu.memory_space<vmem_shared>>
        %dma_start3A_200 = arith.constant 0 : i32
        %dma_start3A_201 = tpu.memref_slice %arg8[%mul3A_195, %dma_start3A_200] : memref<10000x128xf32, #tpu.memory_space<vmem_shared>> -> memref<80x128xf32, #tpu.memory_space<vmem_shared>>
        tpu.enqueue_dma source(%dma_start3A_201 : memref<80x128xf32, #tpu.memory_space<vmem_shared>>) target(%arg11 : memref<80x128xf32, #tpu.memory_space<vmem>>) target_semaphore(%run_scoped3A : memref<!tpu.dma_semaphore, #tpu.memory_space<semaphore_mem>>)
        %dma_wait3A_202 = arith.constant 0 : i32
        %dma_wait3A_203 = tpu.memref_slice %arg8[%mul3A_195, %dma_wait3A_202] : memref<10000x128xf32, #tpu.memory_space<vmem_shared>> -> memref<80x128xf32, #tpu.memory_space<vmem_shared>>
        %dma_wait3A_204 = arith.constant 0 : i32
        %dma_wait3A_205 = tpu.memref_slice %arg8[%mul3A_195, %dma_wait3A_204] : memref<10000x128xf32, #tpu.memory_space<vmem_shared>> -> memref<80x128xf32, #tpu.memory_space<vmem_shared>>
        tpu.wait_dma2 semaphore(%run_scoped3A : memref<!tpu.dma_semaphore, #tpu.memory_space<semaphore_mem>>) src(%dma_wait3A_205 : memref<80x128xf32, #tpu.memory_space<vmem_shared>>) dst(%arg11 : memref<80x128xf32, #tpu.memory_space<vmem>>)
        tpu.yield
      }) : () -> ()
      %mul3A_196 = arith.constant 80 : i32
      %mul3A_197 = arith.muli %add3A_146, %mul3A_196 : i32
      "tpu.region"() ({
        %run_scoped3A = tpu.sem_alloc : memref<!tpu.dma_semaphore, #tpu.memory_space<semaphore_mem>>
        %dma_start3A_198 = arith.constant 0 : i32
        %dma_start3A_199 = tpu.memref_slice %arg7[%arg0, %mul3A_197, %dma_start3A_198] : memref<2x10000x128xf32, #tpu.memory_space<hbm>> -> memref<1x80x128xf32, #tpu.memory_space<hbm>>
        %dma_start3A_200 = tpu.memref_squeeze %dma_start3A_199 : memref<1x80x128xf32, #tpu.memory_space<hbm>> -> memref<80x128xf32, #tpu.memory_space<hbm>>
        %dma_start3A_201 = arith.constant 0 : i32
        %dma_start3A_202 = tpu.memref_slice %arg7[%arg0, %mul3A_197, %dma_start3A_201] : memref<2x10000x128xf32, #tpu.memory_space<hbm>> -> memref<1x80x128xf32, #tpu.memory_space<hbm>>
        %dma_start3A_203 = tpu.memref_squeeze %dma_start3A_202 : memref<1x80x128xf32, #tpu.memory_space<hbm>> -> memref<80x128xf32, #tpu.memory_space<hbm>>
        tpu.enqueue_dma source(%arg11 : memref<80x128xf32, #tpu.memory_space<vmem>>) target(%dma_start3A_203 : memref<80x128xf32, #tpu.memory_space<hbm>>) target_semaphore(%run_scoped3A : memref<!tpu.dma_semaphore, #tpu.memory_space<semaphore_mem>>)
        %dma_wait3A_204 = arith.constant 0 : i32
        %dma_wait3A_205 = tpu.memref_slice %arg7[%arg0, %mul3A_197, %dma_wait3A_204] : memref<2x10000x128xf32, #tpu.memory_space<hbm>> -> memref<1x80x128xf32, #tpu.memory_space<hbm>>
        %dma_wait3A_206 = tpu.memref_squeeze %dma_wait3A_205 : memref<1x80x128xf32, #tpu.memory_space<hbm>> -> memref<80x128xf32, #tpu.memory_space<hbm>>
        %dma_wait3A_207 = arith.constant 0 : i32
        %dma_wait3A_208 = tpu.memref_slice %arg7[%arg0, %mul3A_197, %dma_wait3A_207] : memref<2x10000x128xf32, #tpu.memory_space<hbm>> -> memref<1x80x128xf32, #tpu.memory_space<hbm>>
        %dma_wait3A_209 = tpu.memref_squeeze %dma_wait3A_208 : memref<1x80x128xf32, #tpu.memory_space<hbm>> -> memref<80x128xf32, #tpu.memory_space<hbm>>
        tpu.wait_dma2 semaphore(%run_scoped3A : memref<!tpu.dma_semaphore, #tpu.memory_space<semaphore_mem>>) src(%arg11 : memref<80x128xf32, #tpu.memory_space<vmem>>) dst(%dma_wait3A_209 : memref<80x128xf32, #tpu.memory_space<hbm>>)
        tpu.yield
      }) : () -> ()
    } else {
    }
    %add3A_152 = arith.constant 32 : i32
    %add3A_153 = arith.addi %add3A_152, %arg1 : i32
    %lt3A_154 = arith.constant 125 : i32
    %lt3A_155 = arith.cmpi slt, %add3A_153, %lt3A_154 : i32
    %convert_element_type3A_156 = arith.extui %lt3A_155 : i1 to i32
    %cond3A_157 = arith.constant 0 : i32
    %cond3A_158 = arith.cmpi ne, %convert_element_type3A_156, %cond3A_157 : i32
    scf.if %cond3A_158 {
      %mul3A_194 = arith.constant 80 : i32
      %mul3A_195 = arith.muli %add3A_153, %mul3A_194 : i32
      "tpu.region"() ({
        %run_scoped3A = tpu.sem_alloc : memref<!tpu.dma_semaphore, #tpu.memory_space<semaphore_mem>>
        %dma_start3A_198 = arith.constant 0 : i32
        %dma_start3A_199 = tpu.memref_slice %arg8[%mul3A_195, %dma_start3A_198] : memref<10000x128xf32, #tpu.memory_space<vmem_shared>> -> memref<80x128xf32, #tpu.memory_space<vmem_shared>>
        %dma_start3A_200 = arith.constant 0 : i32
        %dma_start3A_201 = tpu.memref_slice %arg8[%mul3A_195, %dma_start3A_200] : memref<10000x128xf32, #tpu.memory_space<vmem_shared>> -> memref<80x128xf32, #tpu.memory_space<vmem_shared>>
        tpu.enqueue_dma source(%dma_start3A_201 : memref<80x128xf32, #tpu.memory_space<vmem_shared>>) target(%arg11 : memref<80x128xf32, #tpu.memory_space<vmem>>) target_semaphore(%run_scoped3A : memref<!tpu.dma_semaphore, #tpu.memory_space<semaphore_mem>>)
        %dma_wait3A_202 = arith.constant 0 : i32
        %dma_wait3A_203 = tpu.memref_slice %arg8[%mul3A_195, %dma_wait3A_202] : memref<10000x128xf32, #tpu.memory_space<vmem_shared>> -> memref<80x128xf32, #tpu.memory_space<vmem_shared>>
        %dma_wait3A_204 = arith.constant 0 : i32
        %dma_wait3A_205 = tpu.memref_slice %arg8[%mul3A_195, %dma_wait3A_204] : memref<10000x128xf32, #tpu.memory_space<vmem_shared>> -> memref<80x128xf32, #tpu.memory_space<vmem_shared>>
        tpu.wait_dma2 semaphore(%run_scoped3A : memref<!tpu.dma_semaphore, #tpu.memory_space<semaphore_mem>>) src(%dma_wait3A_205 : memref<80x128xf32, #tpu.memory_space<vmem_shared>>) dst(%arg11 : memref<80x128xf32, #tpu.memory_space<vmem>>)
        tpu.yield
      }) : () -> ()
      %mul3A_196 = arith.constant 80 : i32
      %mul3A_197 = arith.muli %add3A_153, %mul3A_196 : i32
      "tpu.region"() ({
        %run_scoped3A = tpu.sem_alloc : memref<!tpu.dma_semaphore, #tpu.memory_space<semaphore_mem>>
        %dma_start3A_198 = arith.constant 0 : i32
        %dma_start3A_199 = tpu.memref_slice %arg7[%arg0, %mul3A_197, %dma_start3A_198] : memref<2x10000x128xf32, #tpu.memory_space<hbm>> -> memref<1x80x128xf32, #tpu.memory_space<hbm>>
        %dma_start3A_200 = tpu.memref_squeeze %dma_start3A_199 : memref<1x80x128xf32, #tpu.memory_space<hbm>> -> memref<80x128xf32, #tpu.memory_space<hbm>>
        %dma_start3A_201 = arith.constant 0 : i32
        %dma_start3A_202 = tpu.memref_slice %arg7[%arg0, %mul3A_197, %dma_start3A_201] : memref<2x10000x128xf32, #tpu.memory_space<hbm>> -> memref<1x80x128xf32, #tpu.memory_space<hbm>>
        %dma_start3A_203 = tpu.memref_squeeze %dma_start3A_202 : memref<1x80x128xf32, #tpu.memory_space<hbm>> -> memref<80x128xf32, #tpu.memory_space<hbm>>
        tpu.enqueue_dma source(%arg11 : memref<80x128xf32, #tpu.memory_space<vmem>>) target(%dma_start3A_203 : memref<80x128xf32, #tpu.memory_space<hbm>>) target_semaphore(%run_scoped3A : memref<!tpu.dma_semaphore, #tpu.memory_space<semaphore_mem>>)
        %dma_wait3A_204 = arith.constant 0 : i32
        %dma_wait3A_205 = tpu.memref_slice %arg7[%arg0, %mul3A_197, %dma_wait3A_204] : memref<2x10000x128xf32, #tpu.memory_space<hbm>> -> memref<1x80x128xf32, #tpu.memory_space<hbm>>
        %dma_wait3A_206 = tpu.memref_squeeze %dma_wait3A_205 : memref<1x80x128xf32, #tpu.memory_space<hbm>> -> memref<80x128xf32, #tpu.memory_space<hbm>>
        %dma_wait3A_207 = arith.constant 0 : i32
        %dma_wait3A_208 = tpu.memref_slice %arg7[%arg0, %mul3A_197, %dma_wait3A_207] : memref<2x10000x128xf32, #tpu.memory_space<hbm>> -> memref<1x80x128xf32, #tpu.memory_space<hbm>>
        %dma_wait3A_209 = tpu.memref_squeeze %dma_wait3A_208 : memref<1x80x128xf32, #tpu.memory_space<hbm>> -> memref<80x128xf32, #tpu.memory_space<hbm>>
        tpu.wait_dma2 semaphore(%run_scoped3A : memref<!tpu.dma_semaphore, #tpu.memory_space<semaphore_mem>>) src(%arg11 : memref<80x128xf32, #tpu.memory_space<vmem>>) dst(%dma_wait3A_209 : memref<80x128xf32, #tpu.memory_space<hbm>>)
        tpu.yield
      }) : () -> ()
    } else {
    }
    %add3A_159 = arith.constant 48 : i32
    %add3A_160 = arith.addi %add3A_159, %arg1 : i32
    %lt3A_161 = arith.constant 125 : i32
    %lt3A_162 = arith.cmpi slt, %add3A_160, %lt3A_161 : i32
    %convert_element_type3A_163 = arith.extui %lt3A_162 : i1 to i32
    %cond3A_164 = arith.constant 0 : i32
    %cond3A_165 = arith.cmpi ne, %convert_element_type3A_163, %cond3A_164 : i32
    scf.if %cond3A_165 {
      %mul3A_194 = arith.constant 80 : i32
      %mul3A_195 = arith.muli %add3A_160, %mul3A_194 : i32
      "tpu.region"() ({
        %run_scoped3A = tpu.sem_alloc : memref<!tpu.dma_semaphore, #tpu.memory_space<semaphore_mem>>
        %dma_start3A_198 = arith.constant 0 : i32
        %dma_start3A_199 = tpu.memref_slice %arg8[%mul3A_195, %dma_start3A_198] : memref<10000x128xf32, #tpu.memory_space<vmem_shared>> -> memref<80x128xf32, #tpu.memory_space<vmem_shared>>
        %dma_start3A_200 = arith.constant 0 : i32
        %dma_start3A_201 = tpu.memref_slice %arg8[%mul3A_195, %dma_start3A_200] : memref<10000x128xf32, #tpu.memory_space<vmem_shared>> -> memref<80x128xf32, #tpu.memory_space<vmem_shared>>
        tpu.enqueue_dma source(%dma_start3A_201 : memref<80x128xf32, #tpu.memory_space<vmem_shared>>) target(%arg11 : memref<80x128xf32, #tpu.memory_space<vmem>>) target_semaphore(%run_scoped3A : memref<!tpu.dma_semaphore, #tpu.memory_space<semaphore_mem>>)
        %dma_wait3A_202 = arith.constant 0 : i32
        %dma_wait3A_203 = tpu.memref_slice %arg8[%mul3A_195, %dma_wait3A_202] : memref<10000x128xf32, #tpu.memory_space<vmem_shared>> -> memref<80x128xf32, #tpu.memory_space<vmem_shared>>
        %dma_wait3A_204 = arith.constant 0 : i32
        %dma_wait3A_205 = tpu.memref_slice %arg8[%mul3A_195, %dma_wait3A_204] : memref<10000x128xf32, #tpu.memory_space<vmem_shared>> -> memref<80x128xf32, #tpu.memory_space<vmem_shared>>
        tpu.wait_dma2 semaphore(%run_scoped3A : memref<!tpu.dma_semaphore, #tpu.memory_space<semaphore_mem>>) src(%dma_wait3A_205 : memref<80x128xf32, #tpu.memory_space<vmem_shared>>) dst(%arg11 : memref<80x128xf32, #tpu.memory_space<vmem>>)
        tpu.yield
      }) : () -> ()
      %mul3A_196 = arith.constant 80 : i32
      %mul3A_197 = arith.muli %add3A_160, %mul3A_196 : i32
      "tpu.region"() ({
        %run_scoped3A = tpu.sem_alloc : memref<!tpu.dma_semaphore, #tpu.memory_space<semaphore_mem>>
        %dma_start3A_198 = arith.constant 0 : i32
        %dma_start3A_199 = tpu.memref_slice %arg7[%arg0, %mul3A_197, %dma_start3A_198] : memref<2x10000x128xf32, #tpu.memory_space<hbm>> -> memref<1x80x128xf32, #tpu.memory_space<hbm>>
        %dma_start3A_200 = tpu.memref_squeeze %dma_start3A_199 : memref<1x80x128xf32, #tpu.memory_space<hbm>> -> memref<80x128xf32, #tpu.memory_space<hbm>>
        %dma_start3A_201 = arith.constant 0 : i32
        %dma_start3A_202 = tpu.memref_slice %arg7[%arg0, %mul3A_197, %dma_start3A_201] : memref<2x10000x128xf32, #tpu.memory_space<hbm>> -> memref<1x80x128xf32, #tpu.memory_space<hbm>>
        %dma_start3A_203 = tpu.memref_squeeze %dma_start3A_202 : memref<1x80x128xf32, #tpu.memory_space<hbm>> -> memref<80x128xf32, #tpu.memory_space<hbm>>
        tpu.enqueue_dma source(%arg11 : memref<80x128xf32, #tpu.memory_space<vmem>>) target(%dma_start3A_203 : memref<80x128xf32, #tpu.memory_space<hbm>>) target_semaphore(%run_scoped3A : memref<!tpu.dma_semaphore, #tpu.memory_space<semaphore_mem>>)
        %dma_wait3A_204 = arith.constant 0 : i32
        %dma_wait3A_205 = tpu.memref_slice %arg7[%arg0, %mul3A_197, %dma_wait3A_204] : memref<2x10000x128xf32, #tpu.memory_space<hbm>> -> memref<1x80x128xf32, #tpu.memory_space<hbm>>
        %dma_wait3A_206 = tpu.memref_squeeze %dma_wait3A_205 : memref<1x80x128xf32, #tpu.memory_space<hbm>> -> memref<80x128xf32, #tpu.memory_space<hbm>>
        %dma_wait3A_207 = arith.constant 0 : i32
        %dma_wait3A_208 = tpu.memref_slice %arg7[%arg0, %mul3A_197, %dma_wait3A_207] : memref<2x10000x128xf32, #tpu.memory_space<hbm>> -> memref<1x80x128xf32, #tpu.memory_space<hbm>>
        %dma_wait3A_209 = tpu.memref_squeeze %dma_wait3A_208 : memref<1x80x128xf32, #tpu.memory_space<hbm>> -> memref<80x128xf32, #tpu.memory_space<hbm>>
        tpu.wait_dma2 semaphore(%run_scoped3A : memref<!tpu.dma_semaphore, #tpu.memory_space<semaphore_mem>>) src(%arg11 : memref<80x128xf32, #tpu.memory_space<vmem>>) dst(%dma_wait3A_209 : memref<80x128xf32, #tpu.memory_space<hbm>>)
        tpu.yield
      }) : () -> ()
    } else {
    }
    %add3A_166 = arith.constant 64 : i32
    %add3A_167 = arith.addi %add3A_166, %arg1 : i32
    %lt3A_168 = arith.constant 125 : i32
    %lt3A_169 = arith.cmpi slt, %add3A_167, %lt3A_168 : i32
    %convert_element_type3A_170 = arith.extui %lt3A_169 : i1 to i32
    %cond3A_171 = arith.constant 0 : i32
    %cond3A_172 = arith.cmpi ne, %convert_element_type3A_170, %cond3A_171 : i32
    scf.if %cond3A_172 {
      %mul3A_194 = arith.constant 80 : i32
      %mul3A_195 = arith.muli %add3A_167, %mul3A_194 : i32
      "tpu.region"() ({
        %run_scoped3A = tpu.sem_alloc : memref<!tpu.dma_semaphore, #tpu.memory_space<semaphore_mem>>
        %dma_start3A_198 = arith.constant 0 : i32
        %dma_start3A_199 = tpu.memref_slice %arg8[%mul3A_195, %dma_start3A_198] : memref<10000x128xf32, #tpu.memory_space<vmem_shared>> -> memref<80x128xf32, #tpu.memory_space<vmem_shared>>
        %dma_start3A_200 = arith.constant 0 : i32
        %dma_start3A_201 = tpu.memref_slice %arg8[%mul3A_195, %dma_start3A_200] : memref<10000x128xf32, #tpu.memory_space<vmem_shared>> -> memref<80x128xf32, #tpu.memory_space<vmem_shared>>
        tpu.enqueue_dma source(%dma_start3A_201 : memref<80x128xf32, #tpu.memory_space<vmem_shared>>) target(%arg11 : memref<80x128xf32, #tpu.memory_space<vmem>>) target_semaphore(%run_scoped3A : memref<!tpu.dma_semaphore, #tpu.memory_space<semaphore_mem>>)
        %dma_wait3A_202 = arith.constant 0 : i32
        %dma_wait3A_203 = tpu.memref_slice %arg8[%mul3A_195, %dma_wait3A_202] : memref<10000x128xf32, #tpu.memory_space<vmem_shared>> -> memref<80x128xf32, #tpu.memory_space<vmem_shared>>
        %dma_wait3A_204 = arith.constant 0 : i32
        %dma_wait3A_205 = tpu.memref_slice %arg8[%mul3A_195, %dma_wait3A_204] : memref<10000x128xf32, #tpu.memory_space<vmem_shared>> -> memref<80x128xf32, #tpu.memory_space<vmem_shared>>
        tpu.wait_dma2 semaphore(%run_scoped3A : memref<!tpu.dma_semaphore, #tpu.memory_space<semaphore_mem>>) src(%dma_wait3A_205 : memref<80x128xf32, #tpu.memory_space<vmem_shared>>) dst(%arg11 : memref<80x128xf32, #tpu.memory_space<vmem>>)
        tpu.yield
      }) : () -> ()
      %mul3A_196 = arith.constant 80 : i32
      %mul3A_197 = arith.muli %add3A_167, %mul3A_196 : i32
      "tpu.region"() ({
        %run_scoped3A = tpu.sem_alloc : memref<!tpu.dma_semaphore, #tpu.memory_space<semaphore_mem>>
        %dma_start3A_198 = arith.constant 0 : i32
        %dma_start3A_199 = tpu.memref_slice %arg7[%arg0, %mul3A_197, %dma_start3A_198] : memref<2x10000x128xf32, #tpu.memory_space<hbm>> -> memref<1x80x128xf32, #tpu.memory_space<hbm>>
        %dma_start3A_200 = tpu.memref_squeeze %dma_start3A_199 : memref<1x80x128xf32, #tpu.memory_space<hbm>> -> memref<80x128xf32, #tpu.memory_space<hbm>>
        %dma_start3A_201 = arith.constant 0 : i32
        %dma_start3A_202 = tpu.memref_slice %arg7[%arg0, %mul3A_197, %dma_start3A_201] : memref<2x10000x128xf32, #tpu.memory_space<hbm>> -> memref<1x80x128xf32, #tpu.memory_space<hbm>>
        %dma_start3A_203 = tpu.memref_squeeze %dma_start3A_202 : memref<1x80x128xf32, #tpu.memory_space<hbm>> -> memref<80x128xf32, #tpu.memory_space<hbm>>
        tpu.enqueue_dma source(%arg11 : memref<80x128xf32, #tpu.memory_space<vmem>>) target(%dma_start3A_203 : memref<80x128xf32, #tpu.memory_space<hbm>>) target_semaphore(%run_scoped3A : memref<!tpu.dma_semaphore, #tpu.memory_space<semaphore_mem>>)
        %dma_wait3A_204 = arith.constant 0 : i32
        %dma_wait3A_205 = tpu.memref_slice %arg7[%arg0, %mul3A_197, %dma_wait3A_204] : memref<2x10000x128xf32, #tpu.memory_space<hbm>> -> memref<1x80x128xf32, #tpu.memory_space<hbm>>
        %dma_wait3A_206 = tpu.memref_squeeze %dma_wait3A_205 : memref<1x80x128xf32, #tpu.memory_space<hbm>> -> memref<80x128xf32, #tpu.memory_space<hbm>>
        %dma_wait3A_207 = arith.constant 0 : i32
        %dma_wait3A_208 = tpu.memref_slice %arg7[%arg0, %mul3A_197, %dma_wait3A_207] : memref<2x10000x128xf32, #tpu.memory_space<hbm>> -> memref<1x80x128xf32, #tpu.memory_space<hbm>>
        %dma_wait3A_209 = tpu.memref_squeeze %dma_wait3A_208 : memref<1x80x128xf32, #tpu.memory_space<hbm>> -> memref<80x128xf32, #tpu.memory_space<hbm>>
        tpu.wait_dma2 semaphore(%run_scoped3A : memref<!tpu.dma_semaphore, #tpu.memory_space<semaphore_mem>>) src(%arg11 : memref<80x128xf32, #tpu.memory_space<vmem>>) dst(%dma_wait3A_209 : memref<80x128xf32, #tpu.memory_space<hbm>>)
        tpu.yield
      }) : () -> ()
    } else {
    }
    %add3A_173 = arith.constant 80 : i32
    %add3A_174 = arith.addi %add3A_173, %arg1 : i32
    %lt3A_175 = arith.constant 125 : i32
    %lt3A_176 = arith.cmpi slt, %add3A_174, %lt3A_175 : i32
    %convert_element_type3A_177 = arith.extui %lt3A_176 : i1 to i32
    %cond3A_178 = arith.constant 0 : i32
    %cond3A_179 = arith.cmpi ne, %convert_element_type3A_177, %cond3A_178 : i32
    scf.if %cond3A_179 {
      %mul3A_194 = arith.constant 80 : i32
      %mul3A_195 = arith.muli %add3A_174, %mul3A_194 : i32
      "tpu.region"() ({
        %run_scoped3A = tpu.sem_alloc : memref<!tpu.dma_semaphore, #tpu.memory_space<semaphore_mem>>
        %dma_start3A_198 = arith.constant 0 : i32
        %dma_start3A_199 = tpu.memref_slice %arg8[%mul3A_195, %dma_start3A_198] : memref<10000x128xf32, #tpu.memory_space<vmem_shared>> -> memref<80x128xf32, #tpu.memory_space<vmem_shared>>
        %dma_start3A_200 = arith.constant 0 : i32
        %dma_start3A_201 = tpu.memref_slice %arg8[%mul3A_195, %dma_start3A_200] : memref<10000x128xf32, #tpu.memory_space<vmem_shared>> -> memref<80x128xf32, #tpu.memory_space<vmem_shared>>
        tpu.enqueue_dma source(%dma_start3A_201 : memref<80x128xf32, #tpu.memory_space<vmem_shared>>) target(%arg11 : memref<80x128xf32, #tpu.memory_space<vmem>>) target_semaphore(%run_scoped3A : memref<!tpu.dma_semaphore, #tpu.memory_space<semaphore_mem>>)
        %dma_wait3A_202 = arith.constant 0 : i32
        %dma_wait3A_203 = tpu.memref_slice %arg8[%mul3A_195, %dma_wait3A_202] : memref<10000x128xf32, #tpu.memory_space<vmem_shared>> -> memref<80x128xf32, #tpu.memory_space<vmem_shared>>
        %dma_wait3A_204 = arith.constant 0 : i32
        %dma_wait3A_205 = tpu.memref_slice %arg8[%mul3A_195, %dma_wait3A_204] : memref<10000x128xf32, #tpu.memory_space<vmem_shared>> -> memref<80x128xf32, #tpu.memory_space<vmem_shared>>
        tpu.wait_dma2 semaphore(%run_scoped3A : memref<!tpu.dma_semaphore, #tpu.memory_space<semaphore_mem>>) src(%dma_wait3A_205 : memref<80x128xf32, #tpu.memory_space<vmem_shared>>) dst(%arg11 : memref<80x128xf32, #tpu.memory_space<vmem>>)
        tpu.yield
      }) : () -> ()
      %mul3A_196 = arith.constant 80 : i32
      %mul3A_197 = arith.muli %add3A_174, %mul3A_196 : i32
      "tpu.region"() ({
        %run_scoped3A = tpu.sem_alloc : memref<!tpu.dma_semaphore, #tpu.memory_space<semaphore_mem>>
        %dma_start3A_198 = arith.constant 0 : i32
        %dma_start3A_199 = tpu.memref_slice %arg7[%arg0, %mul3A_197, %dma_start3A_198] : memref<2x10000x128xf32, #tpu.memory_space<hbm>> -> memref<1x80x128xf32, #tpu.memory_space<hbm>>
        %dma_start3A_200 = tpu.memref_squeeze %dma_start3A_199 : memref<1x80x128xf32, #tpu.memory_space<hbm>> -> memref<80x128xf32, #tpu.memory_space<hbm>>
        %dma_start3A_201 = arith.constant 0 : i32
        %dma_start3A_202 = tpu.memref_slice %arg7[%arg0, %mul3A_197, %dma_start3A_201] : memref<2x10000x128xf32, #tpu.memory_space<hbm>> -> memref<1x80x128xf32, #tpu.memory_space<hbm>>
        %dma_start3A_203 = tpu.memref_squeeze %dma_start3A_202 : memref<1x80x128xf32, #tpu.memory_space<hbm>> -> memref<80x128xf32, #tpu.memory_space<hbm>>
        tpu.enqueue_dma source(%arg11 : memref<80x128xf32, #tpu.memory_space<vmem>>) target(%dma_start3A_203 : memref<80x128xf32, #tpu.memory_space<hbm>>) target_semaphore(%run_scoped3A : memref<!tpu.dma_semaphore, #tpu.memory_space<semaphore_mem>>)
        %dma_wait3A_204 = arith.constant 0 : i32
        %dma_wait3A_205 = tpu.memref_slice %arg7[%arg0, %mul3A_197, %dma_wait3A_204] : memref<2x10000x128xf32, #tpu.memory_space<hbm>> -> memref<1x80x128xf32, #tpu.memory_space<hbm>>
        %dma_wait3A_206 = tpu.memref_squeeze %dma_wait3A_205 : memref<1x80x128xf32, #tpu.memory_space<hbm>> -> memref<80x128xf32, #tpu.memory_space<hbm>>
        %dma_wait3A_207 = arith.constant 0 : i32
        %dma_wait3A_208 = tpu.memref_slice %arg7[%arg0, %mul3A_197, %dma_wait3A_207] : memref<2x10000x128xf32, #tpu.memory_space<hbm>> -> memref<1x80x128xf32, #tpu.memory_space<hbm>>
        %dma_wait3A_209 = tpu.memref_squeeze %dma_wait3A_208 : memref<1x80x128xf32, #tpu.memory_space<hbm>> -> memref<80x128xf32, #tpu.memory_space<hbm>>
        tpu.wait_dma2 semaphore(%run_scoped3A : memref<!tpu.dma_semaphore, #tpu.memory_space<semaphore_mem>>) src(%arg11 : memref<80x128xf32, #tpu.memory_space<vmem>>) dst(%dma_wait3A_209 : memref<80x128xf32, #tpu.memory_space<hbm>>)
        tpu.yield
      }) : () -> ()
    } else {
    }
    %add3A_180 = arith.constant 96 : i32
    %add3A_181 = arith.addi %add3A_180, %arg1 : i32
    %lt3A_182 = arith.constant 125 : i32
    %lt3A_183 = arith.cmpi slt, %add3A_181, %lt3A_182 : i32
    %convert_element_type3A_184 = arith.extui %lt3A_183 : i1 to i32
    %cond3A_185 = arith.constant 0 : i32
    %cond3A_186 = arith.cmpi ne, %convert_element_type3A_184, %cond3A_185 : i32
    scf.if %cond3A_186 {
      %mul3A_194 = arith.constant 80 : i32
      %mul3A_195 = arith.muli %add3A_181, %mul3A_194 : i32
      "tpu.region"() ({
        %run_scoped3A = tpu.sem_alloc : memref<!tpu.dma_semaphore, #tpu.memory_space<semaphore_mem>>
        %dma_start3A_198 = arith.constant 0 : i32
        %dma_start3A_199 = tpu.memref_slice %arg8[%mul3A_195, %dma_start3A_198] : memref<10000x128xf32, #tpu.memory_space<vmem_shared>> -> memref<80x128xf32, #tpu.memory_space<vmem_shared>>
        %dma_start3A_200 = arith.constant 0 : i32
        %dma_start3A_201 = tpu.memref_slice %arg8[%mul3A_195, %dma_start3A_200] : memref<10000x128xf32, #tpu.memory_space<vmem_shared>> -> memref<80x128xf32, #tpu.memory_space<vmem_shared>>
        tpu.enqueue_dma source(%dma_start3A_201 : memref<80x128xf32, #tpu.memory_space<vmem_shared>>) target(%arg11 : memref<80x128xf32, #tpu.memory_space<vmem>>) target_semaphore(%run_scoped3A : memref<!tpu.dma_semaphore, #tpu.memory_space<semaphore_mem>>)
        %dma_wait3A_202 = arith.constant 0 : i32
        %dma_wait3A_203 = tpu.memref_slice %arg8[%mul3A_195, %dma_wait3A_202] : memref<10000x128xf32, #tpu.memory_space<vmem_shared>> -> memref<80x128xf32, #tpu.memory_space<vmem_shared>>
        %dma_wait3A_204 = arith.constant 0 : i32
        %dma_wait3A_205 = tpu.memref_slice %arg8[%mul3A_195, %dma_wait3A_204] : memref<10000x128xf32, #tpu.memory_space<vmem_shared>> -> memref<80x128xf32, #tpu.memory_space<vmem_shared>>
        tpu.wait_dma2 semaphore(%run_scoped3A : memref<!tpu.dma_semaphore, #tpu.memory_space<semaphore_mem>>) src(%dma_wait3A_205 : memref<80x128xf32, #tpu.memory_space<vmem_shared>>) dst(%arg11 : memref<80x128xf32, #tpu.memory_space<vmem>>)
        tpu.yield
      }) : () -> ()
      %mul3A_196 = arith.constant 80 : i32
      %mul3A_197 = arith.muli %add3A_181, %mul3A_196 : i32
      "tpu.region"() ({
        %run_scoped3A = tpu.sem_alloc : memref<!tpu.dma_semaphore, #tpu.memory_space<semaphore_mem>>
        %dma_start3A_198 = arith.constant 0 : i32
        %dma_start3A_199 = tpu.memref_slice %arg7[%arg0, %mul3A_197, %dma_start3A_198] : memref<2x10000x128xf32, #tpu.memory_space<hbm>> -> memref<1x80x128xf32, #tpu.memory_space<hbm>>
        %dma_start3A_200 = tpu.memref_squeeze %dma_start3A_199 : memref<1x80x128xf32, #tpu.memory_space<hbm>> -> memref<80x128xf32, #tpu.memory_space<hbm>>
        %dma_start3A_201 = arith.constant 0 : i32
        %dma_start3A_202 = tpu.memref_slice %arg7[%arg0, %mul3A_197, %dma_start3A_201] : memref<2x10000x128xf32, #tpu.memory_space<hbm>> -> memref<1x80x128xf32, #tpu.memory_space<hbm>>
        %dma_start3A_203 = tpu.memref_squeeze %dma_start3A_202 : memref<1x80x128xf32, #tpu.memory_space<hbm>> -> memref<80x128xf32, #tpu.memory_space<hbm>>
        tpu.enqueue_dma source(%arg11 : memref<80x128xf32, #tpu.memory_space<vmem>>) target(%dma_start3A_203 : memref<80x128xf32, #tpu.memory_space<hbm>>) target_semaphore(%run_scoped3A : memref<!tpu.dma_semaphore, #tpu.memory_space<semaphore_mem>>)
        %dma_wait3A_204 = arith.constant 0 : i32
        %dma_wait3A_205 = tpu.memref_slice %arg7[%arg0, %mul3A_197, %dma_wait3A_204] : memref<2x10000x128xf32, #tpu.memory_space<hbm>> -> memref<1x80x128xf32, #tpu.memory_space<hbm>>
        %dma_wait3A_206 = tpu.memref_squeeze %dma_wait3A_205 : memref<1x80x128xf32, #tpu.memory_space<hbm>> -> memref<80x128xf32, #tpu.memory_space<hbm>>
        %dma_wait3A_207 = arith.constant 0 : i32
        %dma_wait3A_208 = tpu.memref_slice %arg7[%arg0, %mul3A_197, %dma_wait3A_207] : memref<2x10000x128xf32, #tpu.memory_space<hbm>> -> memref<1x80x128xf32, #tpu.memory_space<hbm>>
        %dma_wait3A_209 = tpu.memref_squeeze %dma_wait3A_208 : memref<1x80x128xf32, #tpu.memory_space<hbm>> -> memref<80x128xf32, #tpu.memory_space<hbm>>
        tpu.wait_dma2 semaphore(%run_scoped3A : memref<!tpu.dma_semaphore, #tpu.memory_space<semaphore_mem>>) src(%arg11 : memref<80x128xf32, #tpu.memory_space<vmem>>) dst(%dma_wait3A_209 : memref<80x128xf32, #tpu.memory_space<hbm>>)
        tpu.yield
      }) : () -> ()
    } else {
    }
    %add3A_187 = arith.constant 112 : i32
    %add3A_188 = arith.addi %add3A_187, %arg1 : i32
    %lt3A_189 = arith.constant 125 : i32
    %lt3A_190 = arith.cmpi slt, %add3A_188, %lt3A_189 : i32
    %convert_element_type3A_191 = arith.extui %lt3A_190 : i1 to i32
    %cond3A_192 = arith.constant 0 : i32
    %cond3A_193 = arith.cmpi ne, %convert_element_type3A_191, %cond3A_192 : i32
    scf.if %cond3A_193 {
      %mul3A_194 = arith.constant 80 : i32
      %mul3A_195 = arith.muli %add3A_188, %mul3A_194 : i32
      "tpu.region"() ({
        %run_scoped3A = tpu.sem_alloc : memref<!tpu.dma_semaphore, #tpu.memory_space<semaphore_mem>>
        %dma_start3A_198 = arith.constant 0 : i32
        %dma_start3A_199 = tpu.memref_slice %arg8[%mul3A_195, %dma_start3A_198] : memref<10000x128xf32, #tpu.memory_space<vmem_shared>> -> memref<80x128xf32, #tpu.memory_space<vmem_shared>>
        %dma_start3A_200 = arith.constant 0 : i32
        %dma_start3A_201 = tpu.memref_slice %arg8[%mul3A_195, %dma_start3A_200] : memref<10000x128xf32, #tpu.memory_space<vmem_shared>> -> memref<80x128xf32, #tpu.memory_space<vmem_shared>>
        tpu.enqueue_dma source(%dma_start3A_201 : memref<80x128xf32, #tpu.memory_space<vmem_shared>>) target(%arg11 : memref<80x128xf32, #tpu.memory_space<vmem>>) target_semaphore(%run_scoped3A : memref<!tpu.dma_semaphore, #tpu.memory_space<semaphore_mem>>)
        %dma_wait3A_202 = arith.constant 0 : i32
        %dma_wait3A_203 = tpu.memref_slice %arg8[%mul3A_195, %dma_wait3A_202] : memref<10000x128xf32, #tpu.memory_space<vmem_shared>> -> memref<80x128xf32, #tpu.memory_space<vmem_shared>>
        %dma_wait3A_204 = arith.constant 0 : i32
        %dma_wait3A_205 = tpu.memref_slice %arg8[%mul3A_195, %dma_wait3A_204] : memref<10000x128xf32, #tpu.memory_space<vmem_shared>> -> memref<80x128xf32, #tpu.memory_space<vmem_shared>>
        tpu.wait_dma2 semaphore(%run_scoped3A : memref<!tpu.dma_semaphore, #tpu.memory_space<semaphore_mem>>) src(%dma_wait3A_205 : memref<80x128xf32, #tpu.memory_space<vmem_shared>>) dst(%arg11 : memref<80x128xf32, #tpu.memory_space<vmem>>)
        tpu.yield
      }) : () -> ()
      %mul3A_196 = arith.constant 80 : i32
      %mul3A_197 = arith.muli %add3A_188, %mul3A_196 : i32
      "tpu.region"() ({
        %run_scoped3A = tpu.sem_alloc : memref<!tpu.dma_semaphore, #tpu.memory_space<semaphore_mem>>
        %dma_start3A_198 = arith.constant 0 : i32
        %dma_start3A_199 = tpu.memref_slice %arg7[%arg0, %mul3A_197, %dma_start3A_198] : memref<2x10000x128xf32, #tpu.memory_space<hbm>> -> memref<1x80x128xf32, #tpu.memory_space<hbm>>
        %dma_start3A_200 = tpu.memref_squeeze %dma_start3A_199 : memref<1x80x128xf32, #tpu.memory_space<hbm>> -> memref<80x128xf32, #tpu.memory_space<hbm>>
        %dma_start3A_201 = arith.constant 0 : i32
        %dma_start3A_202 = tpu.memref_slice %arg7[%arg0, %mul3A_197, %dma_start3A_201] : memref<2x10000x128xf32, #tpu.memory_space<hbm>> -> memref<1x80x128xf32, #tpu.memory_space<hbm>>
        %dma_start3A_203 = tpu.memref_squeeze %dma_start3A_202 : memref<1x80x128xf32, #tpu.memory_space<hbm>> -> memref<80x128xf32, #tpu.memory_space<hbm>>
        tpu.enqueue_dma source(%arg11 : memref<80x128xf32, #tpu.memory_space<vmem>>) target(%dma_start3A_203 : memref<80x128xf32, #tpu.memory_space<hbm>>) target_semaphore(%run_scoped3A : memref<!tpu.dma_semaphore, #tpu.memory_space<semaphore_mem>>)
        %dma_wait3A_204 = arith.constant 0 : i32
        %dma_wait3A_205 = tpu.memref_slice %arg7[%arg0, %mul3A_197, %dma_wait3A_204] : memref<2x10000x128xf32, #tpu.memory_space<hbm>> -> memref<1x80x128xf32, #tpu.memory_space<hbm>>
        %dma_wait3A_206 = tpu.memref_squeeze %dma_wait3A_205 : memref<1x80x128xf32, #tpu.memory_space<hbm>> -> memref<80x128xf32, #tpu.memory_space<hbm>>
        %dma_wait3A_207 = arith.constant 0 : i32
        %dma_wait3A_208 = tpu.memref_slice %arg7[%arg0, %mul3A_197, %dma_wait3A_207] : memref<2x10000x128xf32, #tpu.memory_space<hbm>> -> memref<1x80x128xf32, #tpu.memory_space<hbm>>
        %dma_wait3A_209 = tpu.memref_squeeze %dma_wait3A_208 : memref<1x80x128xf32, #tpu.memory_space<hbm>> -> memref<80x128xf32, #tpu.memory_space<hbm>>
        tpu.wait_dma2 semaphore(%run_scoped3A : memref<!tpu.dma_semaphore, #tpu.memory_space<semaphore_mem>>) src(%arg11 : memref<80x128xf32, #tpu.memory_space<vmem>>) dst(%dma_wait3A_209 : memref<80x128xf32, #tpu.memory_space<hbm>>)
        tpu.yield
      }) : () -> ()
    } else {
    }
    return
  }
}

module attributes {stable_mosaic.version = 14 : i64} {
  func.func @_prep_body(%arg0: i32, %arg1: memref<1000x128xf32, #tpu.memory_space<vmem>>, %arg2: memref<128x128xf32, #tpu.memory_space<vmem>>, %arg3: memref<1x128xf32, #tpu.memory_space<vmem>>, %arg4: memref<128x16xf32, #tpu.memory_space<vmem>>, %arg5: memref<128x16xf32, #tpu.memory_space<vmem>>, %arg6: memref<1000x128xf32, #tpu.memory_space<vmem>>, %arg7: memref<1000x16xf32, #tpu.memory_space<vmem>>, %arg8: memref<1000x16xf32, #tpu.memory_space<vmem>>) attributes {dimension_semantics = [#tpu.dimension_semantics<arbitrary>], iteration_bounds = array<i64: 10>, scalar_prefetch = 0 : i64, scratch_operands = 0 : i64, tpu.core_type = #tpu.core_type<tc>, window_params = [{transform_indices = @transform_0, window_bounds = array<i64: 1000, 128>}, {pipeline_mode = #tpu.pipeline_mode<synchronous>, transform_indices = @transform_1, window_bounds = array<i64: 128, 128>}, {pipeline_mode = #tpu.pipeline_mode<synchronous>, transform_indices = @transform_2, window_bounds = array<i64: 1, 128>}, {pipeline_mode = #tpu.pipeline_mode<synchronous>, transform_indices = @transform_3, window_bounds = array<i64: 128, 16>}, {pipeline_mode = #tpu.pipeline_mode<synchronous>, transform_indices = @transform_4, window_bounds = array<i64: 128, 16>}, {transform_indices = @transform_5, window_bounds = array<i64: 1000, 128>}, {transform_indices = @transform_6, window_bounds = array<i64: 1000, 16>}, {transform_indices = @transform_7, window_bounds = array<i64: 1000, 16>}]} {
    %get3A = arith.constant 0 : index
    %get3A_0 = arith.constant 0 : index
    %get3A_1 = vector.load %arg1[%get3A, %get3A_0] : memref<1000x128xf32, #tpu.memory_space<vmem>>, vector<1000x128xf32>
    %get3A_2 = arith.constant 0 : index
    %get3A_3 = arith.constant 0 : index
    %get3A_4 = vector.load %arg2[%get3A_2, %get3A_3] : memref<128x128xf32, #tpu.memory_space<vmem>>, vector<128x128xf32>
    %dot_general3A = arith.constant dense<0.000000e+00> : vector<1000x128xf32>
    %dot_general3A_5 = tpu.matmul %get3A_1, %get3A_4, %dot_general3A {dimension_numbers = #tpu.dot_dimension_numbers<[1], [0], [0], [1], [0, 0, 1, 1], [], []>, transpose_lhs_hint = false} : vector<1000x128xf32>, vector<128x128xf32>, vector<1000x128xf32> -> vector<1000x128xf32>
    %get3A_6 = arith.constant 0 : index
    %get3A_7 = arith.constant 0 : index
    %get3A_8 = vector.load %arg3[%get3A_6, %get3A_7] : memref<1x128xf32, #tpu.memory_space<vmem>>, vector<1x128xf32>
    %add3A = vector.broadcast %get3A_8 : vector<1x128xf32> to vector<1000x128xf32>
    %add3A_9 = arith.addf %dot_general3A_5, %add3A : vector<1000x128xf32>
    %swap3A = arith.constant 0 : index
    %swap3A_10 = arith.constant 0 : index
    %swap3A_11 = vector.load %arg6[%swap3A, %swap3A_10] : memref<1000x128xf32, #tpu.memory_space<vmem>>, vector<1000x128xf32>
    tpu.vector_store %arg6[%swap3A, %swap3A_10], %add3A_9 {strides = array<i32>} : memref<1000x128xf32, #tpu.memory_space<vmem>>, vector<1000x128xf32>,
    %get3A_12 = arith.constant 0 : index
    %get3A_13 = arith.constant 0 : index
    %get3A_14 = vector.load %arg4[%get3A_12, %get3A_13] : memref<128x16xf32, #tpu.memory_space<vmem>>, vector<128x16xf32>
    %dot_general3A_15 = arith.constant dense<0.000000e+00> : vector<1000x16xf32>
    %dot_general3A_16 = tpu.matmul %add3A_9, %get3A_14, %dot_general3A_15 {dimension_numbers = #tpu.dot_dimension_numbers<[1], [0], [0], [1], [0, 0, 1, 1], [], []>, transpose_lhs_hint = false} : vector<1000x128xf32>, vector<128x16xf32>, vector<1000x16xf32> -> vector<1000x16xf32>
    %swap3A_17 = arith.constant 0 : index
    %swap3A_18 = arith.constant 0 : index
    %swap3A_19 = vector.load %arg7[%swap3A_17, %swap3A_18] : memref<1000x16xf32, #tpu.memory_space<vmem>>, vector<1000x16xf32>
    tpu.vector_store %arg7[%swap3A_17, %swap3A_18], %dot_general3A_16 {strides = array<i32>} : memref<1000x16xf32, #tpu.memory_space<vmem>>, vector<1000x16xf32>,
    %get3A_20 = arith.constant 0 : index
    %get3A_21 = arith.constant 0 : index
    %get3A_22 = vector.load %arg5[%get3A_20, %get3A_21] : memref<128x16xf32, #tpu.memory_space<vmem>>, vector<128x16xf32>
    %dot_general3A_23 = arith.constant dense<0.000000e+00> : vector<1000x16xf32>
    %dot_general3A_24 = tpu.matmul %add3A_9, %get3A_22, %dot_general3A_23 {dimension_numbers = #tpu.dot_dimension_numbers<[1], [0], [0], [1], [0, 0, 1, 1], [], []>, transpose_lhs_hint = false} : vector<1000x128xf32>, vector<128x16xf32>, vector<1000x16xf32> -> vector<1000x16xf32>
    %swap3A_25 = arith.constant 0 : index
    %swap3A_26 = arith.constant 0 : index
    %swap3A_27 = vector.load %arg8[%swap3A_25, %swap3A_26] : memref<1000x16xf32, #tpu.memory_space<vmem>>, vector<1000x16xf32>
    tpu.vector_store %arg8[%swap3A_25, %swap3A_26], %dot_general3A_24 {strides = array<i32>} : memref<1000x16xf32, #tpu.memory_space<vmem>>, vector<1000x16xf32>,
    return
  }
  func.func @transform_0(%arg0: i32) -> (i32, i32) {
    %c0_i32 = arith.constant 0 : i32
    %c0_i32_0 = arith.constant 0 : i32
    return %arg0, %c0_i32 : i32, i32
  }
  func.func @transform_1(%arg0: i32) -> (i32, i32) {
    %c0_i32 = arith.constant 0 : i32
    %c0_i32_0 = arith.constant 0 : i32
    %c0_i32_1 = arith.constant 0 : i32
    return %c0_i32, %c0_i32_0 : i32, i32
  }
  func.func @transform_2(%arg0: i32) -> (i32, i32) {
    %c0_i32 = arith.constant 0 : i32
    %c0_i32_0 = arith.constant 0 : i32
    %c0_i32_1 = arith.constant 0 : i32
    return %c0_i32, %c0_i32_0 : i32, i32
  }
  func.func @transform_3(%arg0: i32) -> (i32, i32) {
    %c0_i32 = arith.constant 0 : i32
    %c0_i32_0 = arith.constant 0 : i32
    %c0_i32_1 = arith.constant 0 : i32
    return %c0_i32, %c0_i32_0 : i32, i32
  }
  func.func @transform_4(%arg0: i32) -> (i32, i32) {
    %c0_i32 = arith.constant 0 : i32
    %c0_i32_0 = arith.constant 0 : i32
    %c0_i32_1 = arith.constant 0 : i32
    return %c0_i32, %c0_i32_0 : i32, i32
  }
  func.func @transform_5(%arg0: i32) -> (i32, i32) {
    %c0_i32 = arith.constant 0 : i32
    %c0_i32_0 = arith.constant 0 : i32
    return %arg0, %c0_i32 : i32, i32
  }
  func.func @transform_6(%arg0: i32) -> (i32, i32) {
    %c0_i32 = arith.constant 0 : i32
    %c0_i32_0 = arith.constant 0 : i32
    return %arg0, %c0_i32 : i32, i32
  }
  func.func @transform_7(%arg0: i32) -> (i32, i32) {
    %c0_i32 = arith.constant 0 : i32
    %c0_i32_0 = arith.constant 0 : i32
    return %arg0, %c0_i32 : i32, i32
  }
}

module attributes {stable_mosaic.version = 14 : i64} {
  func.func @_combine_body(%arg0: i32, %arg1: memref<2x1000x128xf32, #tpu.memory_space<vmem>>, %arg2: memref<1000x128xf32, #tpu.memory_space<vmem>>) attributes {dimension_semantics = [#tpu.dimension_semantics<arbitrary>], iteration_bounds = array<i64: 10>, scalar_prefetch = 0 : i64, scratch_operands = 0 : i64, tpu.core_type = #tpu.core_type<tc>, window_params = [{transform_indices = @transform_0, window_bounds = array<i64: 2, 1000, 128>}, {transform_indices = @transform_1, window_bounds = array<i64: 1000, 128>}]} {
    %get3A = arith.constant 0 : index
    %get3A_0 = arith.constant 0 : index
    %get3A_1 = arith.constant 0 : index
    %get3A_2 = vector.load %arg1[%get3A, %get3A_0, %get3A_1] : memref<2x1000x128xf32, #tpu.memory_space<vmem>>, vector<1x1000x128xf32>
    %get3A_3 = vector.shape_cast %get3A_2 : vector<1x1000x128xf32> to vector<1000x128xf32>
    %get3A_4 = arith.constant 1 : index
    %get3A_5 = arith.constant 0 : index
    %get3A_6 = arith.constant 0 : index
    %get3A_7 = vector.load %arg1[%get3A_4, %get3A_5, %get3A_6] : memref<2x1000x128xf32, #tpu.memory_space<vmem>>, vector<1x1000x128xf32>
    %get3A_8 = vector.shape_cast %get3A_7 : vector<1x1000x128xf32> to vector<1000x128xf32>
    %add3A = arith.addf %get3A_3, %get3A_8 : vector<1000x128xf32>
    %swap3A = arith.constant 0 : index
    %swap3A_9 = arith.constant 0 : index
    %swap3A_10 = vector.load %arg2[%swap3A, %swap3A_9] : memref<1000x128xf32, #tpu.memory_space<vmem>>, vector<1000x128xf32>
    tpu.vector_store %arg2[%swap3A, %swap3A_9], %add3A {strides = array<i32>} : memref<1000x128xf32, #tpu.memory_space<vmem>>, vector<1000x128xf32>,
    return
  }
  func.func @transform_0(%arg0: i32) -> (i32, i32, i32) {
    %c0_i32 = arith.constant 0 : i32
    %c0_i32_0 = arith.constant 0 : i32
    %c0_i32_1 = arith.constant 0 : i32
    return %c0_i32, %arg0, %c0_i32_0 : i32, i32, i32
  }
  func.func @transform_1(%arg0: i32) -> (i32, i32) {
    %c0_i32 = arith.constant 0 : i32
    %c0_i32_0 = arith.constant 0 : i32
    return %arg0, %c0_i32 : i32, i32
  }
}

</mosaic_0001>

<sc_bundles>
// kernel: kernel.5.cloned.1.call-start
scs
__scs_entry_jumppad:
0x0: {  	(pc) =	sbr.rel $0x88, $3  }
0x1: {  	(tag) =	ssettag $0x0;
	lr =	simm.s32 $0x1  }
0x2: {  	[smem:$0x3F9C] =	sst lr;
	_ =	strace $0xD0000000  }
0x3: {  	_ = 	snop  }
0x4: {  	_ = 	snop  }
0x5: {  	_ = 	snop  }
0x6: {  	_ = 	snop  }
0x7: {  	_ = 	snop  }
__scs_overlays_trampoline_lowered:
0x8: {  	[smem:$0x3FAB] =	sst s0  }
0x9: {  	[smem:$0x3FAC] =	sst s1  }
0xa: {  	[smem:$0x3FAD] =	sst s2  }
0xb: {  	[smem:$0x3FAE] =	sst s3  }
0xc: {  	[smem:$0x3FAF] =	sst s4  }
0xd: {  	[smem:$0x3FB0] =	sst s5  }
0xe: {  	[smem:$0x3FB1] =	sst s6  }
0xf: {  	[smem:$0x3FB2] =	sst s7  }
0x10: {  	[smem:$0x3FB3] =	sst s8  }
0x11: {  	[smem:$0x3FB4] =	sst s9;
	s0 =	simm.s32 @!p0 $0x0  }
0x12: {  	s1 =	sld [smem:$0x3F9A];
	s0 =	simm.s32 @p0 $0x1  }
0x13: {  	[smem:$0x3FB5] =	sst s0;
	s0 =	simm.s32 @!p1 $0x0  }
0x14: {  	s2 =	sld [smem:$0x3F99];
	s0 =	simm.s32 @p1 $0x1  }
0x15: {  	[smem:$0x3FB6] =	sst s0;
	s0 =	simm.s32 @!p2 $0x0  }
0x16: {  	s3 =	sld [smem:$0x3FDB];
	s0 =	simm.s32 @p2 $0x1  }
0x17: {  	s4 =	simm.s32 $0x1BF5;
	[smem:$0x3FB8] =	sst s0  }
0x18: {  	s0 =	sld [smem:$0x3F9B];
	_ =	swait.ge [sflag:s4], $0x0  }
0x19: {  	s7 =	sld [smem:$0x3F9C]  }
0x1a: {  	s8 =	sadd.s32 $0xFFFFE003, lr  }
0x1b: {  	s9 =	sadd.s32 $0xFFFFFEF7, lr;
	s5 =	simm.s32 $0xFFFFFFFF;
	p2 =	slt.u32 s8, $0xFFFFF086  }
0x1c: {  	p1 =	slt.u32 s9, $0xF7A;
	s5 =	simm.s32 @!p2 $0x0  }
0x1d: {  	s5 =	simm.s32 @p1 $0x1;
	p0 =	seq.s32 s7, s2  }
0x1e: {  	s7 =	smul.u32 @!p0 $0xF7A, s2;
	p2 =	seq.s32 @!p0 s5, $0x0  }
0x1f: {  	s9 =	smul.u32 $0xF7A, s1;
	s8 =	simm.s32 @!p0 $0x1BF5;
	p2 =	por !p2, p0  }
0x20: {  	[sflag:s8] =	ssyncset.s32 @!p0 $0xFFFFF086;
	s6 =	sadd.s32 @!p0 s3, s7;
	s7 =	simm.s32 @!p0 $0x108  }
0x21: {  	s3 =	sadd.s32 s3, s9;
	s6 =	sadd.s32 @!p0 $0x88, s6;
	s7 =	simm.s32 @p2 $0x1082  }
0x22: {  	[simem:s7], [sflag:s8] =	dma.local @!p0 [hbm:s6], $0xF7A  }
0x23: {  	s9 =	sor.u32 $0xD0000000, s2;
	s6 =	simm.s32 $0x108;
	_ =	swait.ge @!p0 [sflag:s8], $0x0  }
0x24: {  	s3 =	sadd.s32 $0x88, s3;
	s6 =	simm.s32 @!p1 $0x1082;
	[sflag:s4] =	ssyncset.s32 $0xFFFFF086  }
0x25: {  	[simem:s6], [sflag:s4] =	dma.local [hbm:s3], $0xF7A  }
0x26: {  	[smem:$0x3F9C] =	sst s1;
	(tag) =	ssettag s2;
	_ =	strace s9  }
0x27: {  	s1 =	sld [smem:$0x3FAC]  }
0x28: {  	s2 =	sld [smem:$0x3FAD]  }
0x29: {  	s4 =	sld [smem:$0x3FAF]  }
0x2a: {  	p0 =	seq.s32 s5, $0x0;
	s5 =	sld [smem:$0x3FB0]  }
0x2b: {  	s6 =	sld [smem:$0x3FB1]  }
0x2c: {  	s7 =	sld [smem:$0x3FB2]  }
0x2d: {  	s3 =	simm.s32 $0x108;
	s8 =	sld [smem:$0x3FB3]  }
0x2e: {  	s3 =	simm.s32 @!p0 $0x1082;
	s9 =	sld [smem:$0x3FB4]  }
0x2f: {  	lr =	sadd.s32 s0, s3;
	s0 =	sld [smem:$0x3FAB]  }
0x30: {  	s3 =	sld [smem:$0x3FAE]  }
0x31: {  	[smem:$0x3FB7] =	sst s10  }
0x32: {  	s10 =	sld [smem:$0x3FB5];
	_ =	sdelay $0x3  }
0x33: {  	p0 =	seq.s32 s10, $0x1;
	s10 =	sld [smem:$0x3FB7];
	_ =	sdelay $0x3  }
0x34: {  	[smem:$0x3FB7] =	sst s10  }
0x35: {  	s10 =	sld [smem:$0x3FB6];
	_ =	sdelay $0x3  }
0x36: {  	p1 =	seq.s32 s10, $0x1;
	s10 =	sld [smem:$0x3FB7];
	_ =	sdelay $0x3  }
0x37: {  	[smem:$0x3FB7] =	sst s10  }
0x38: {  	s10 =	sld [smem:$0x3FB8]  }
0x39: {  	_ = 	snop;
	(pc) =	sbr.ind lr, $3  }
0x3a: {  	_ = 	snop  }
0x3b: {  	_ = 	snop  }
0x3c: {  	p2 =	seq.s32 s10, $0x1;
	s10 =	sld [smem:$0x3FB7]  }
0x3d: {  	_ =	shalt  }
0x3e: {  	_ =	shalt  }
0x3f: {  	_ =	shalt  }
0x40: {  	_ =	shalt  }
0x41: {  	_ =	shalt  }
0x42: {  	_ =	shalt  }
0x43: {  	_ =	shalt  }
0x44: {  	_ =	shalt  }
0x45: {  	_ =	shalt  }
0x46: {  	_ =	shalt  }
0x47: {  	_ =	shalt  }
0x48: {  	_ =	shalt  }
0x49: {  	_ =	shalt  }
0x4a: {  	_ =	shalt  }
0x4b: {  	_ =	shalt  }
0x4c: {  	_ =	shalt  }
0x4d: {  	_ =	shalt  }
0x4e: {  	_ =	shalt  }
0x4f: {  	_ =	shalt  }
0x50: {  	_ =	shalt  }
0x51: {  	_ =	shalt  }
0x52: {  	_ =	shalt  }
0x53: {  	_ =	shalt  }
0x54: {  	_ =	shalt  }
0x55: {  	_ =	shalt  }
0x56: {  	_ =	shalt  }
0x57: {  	_ =	shalt  }
0x58: {  	_ =	shalt  }
0x59: {  	_ =	shalt  }
0x5a: {  	_ =	shalt  }
0x5b: {  	_ =	shalt  }
0x5c: {  	_ =	shalt  }
0x5d: {  	_ =	shalt  }
0x5e: {  	_ =	shalt  }
0x5f: {  	_ =	shalt  }
0x60: {  	_ =	shalt  }
0x61: {  	_ =	shalt  }
0x62: {  	_ =	shalt  }
0x63: {  	_ =	shalt  }
0x64: {  	_ =	shalt  }
0x65: {  	_ =	shalt  }
0x66: {  	_ =	shalt  }
0x67: {  	_ =	shalt  }
0x68: {  	_ =	shalt  }
0x69: {  	_ =	shalt  }
0x6a: {  	_ =	shalt  }
0x6b: {  	_ =	shalt  }
0x6c: {  	_ =	shalt  }
0x6d: {  	_ =	shalt  }
0x6e: {  	_ =	shalt  }
0x6f: {  	_ =	shalt  }
0x70: {  	_ =	shalt  }
0x71: {  	_ =	shalt  }
0x72: {  	_ =	shalt  }
0x73: {  	_ =	shalt  }
0x74: {  	_ =	shalt  }
0x75: {  	_ =	shalt  }
0x76: {  	_ =	shalt  }
0x77: {  	_ =	shalt  }
0x78: {  	_ =	shalt  }
0x79: {  	_ =	shalt  }
0x7a: {  	_ =	shalt  }
0x7b: {  	_ =	shalt  }
0x7c: {  	_ =	shalt  }
0x7d: {  	_ =	shalt  }
0x7e: {  	_ =	shalt  }
0x7f: {  	_ =	shalt  }
0x80: {  	_ =	shalt  }
0x81: {  	_ =	shalt  }
0x82: {  	_ =	shalt  }
0x83: {  	_ =	shalt  }
0x84: {  	_ =	shalt  }
0x85: {  	_ =	shalt  }
0x86: {  	_ =	shalt  }
0x87: {  	_ =	shalt  }
.Lfunc_end0:
.L_simem_size_0:
called_computation_lowered:
.L_overlay_start_0:
0x88: {  	s2 =	sld [smem:$0x3FD9]  }
0x89: {  	s3 =	sld [smem:$0x3FFE];
	_ =	sdelay $0x1  }
0x8a: {  	s1 =	srdreg.scid  }
0x8b: {  	s0 =	sand.u32 $0x1, s1  }
0x8c: {  	s17 =	sshll.u32 s0, $0xA;
	s2 =	sadd.s32 s3, s2  }
0x8d: {  	s2 =	sadd.s32 s2, s17  }
0x8e: {  	[smem:$0x3FC3] =	sst s2  }
0x8f: {  	_ = 	snop  }
0x90: {  	s2 =	sld [smem:$0x3FD0];
	(tm) =	ssettm $0x1  }
0x91: {  	s18 =	sld [smem:$0x3FFB];
	_ =	sdelay $0x3  }
0x92: {  	_ =	strace s18  }
0x93: {  	s3 =	sld [smem:$0x3FFC];
	_ =	sdelay $0x3  }
0x94: {  	_ =	strace s3  }
0x95: {  	s3 =	sld [smem:$0x3FFD];
	_ =	sdelay $0x3  }
0x96: {  	_ =	strace s3  }
0x97: {  	_ =	strace $0x8FFFFFFF  }
0x98: {  	s19 =	sld [smem:$0x3FDB];
	_ =	sdelay $0x1  }
0x99: {  	s4 =	simm.s32 $_scs_section_size  }
0x9a: {  	s5 =	simm.s32 $_size__tile_overlayer_lowered;
	s6 =	simm.s32 $_tile_overlayer_lowered  }
0x9b: {  	s22 =	simm.s32 $0x1BFF;
	s21 =	sshll.u32 s6, $0x1;
	s3 =	sadd.s32 s4, s19  }
0x9c: {  	s7 =	simm.s32 $0x0;
	s20 =	sshll.u32 s5, $0x1;
	s5 =	sadd.s32 s21, s3  }
0x9d: {  	[timem:s7], [sflag:s22] =	dma.local [hbm:s5], s20  }
0x9e: {  	_ =	swait.ge [sflag:s22], s20  }
0x9f: {  	s4 =	ssub.s32 $0x0, s20;
	[sflag:s22] =	ssyncset.done $0x0  }
0xa0: {  	[sflag:s22] =	ssyncadd.s32 s4;
	_ =	sdelay $0x1  }
0xa1: {  	s23 =	simm.s32 $0x1B8B  }
0xa2: {  	_ =	swait.ge [sflag:s23], $0x1  }
0xa3: {  	[sflag:s23] =	ssyncset.done $0x0  }
0xa4: {  	s25 =	simm.s32 $0x1B8E;
	s24 =	sld [smem:$0x3FFE];
	[sflag:s23] =	ssyncadd.s32 $0xFFFFFFFF  }
0xa5: {  	s26 =	simm.s32 $execute0_lowered;
	[smem:$0x3FD2] =	sst s25  }
0xa6: {  	s5 =	sshll.u32 s26, $0x1;
	_ =	strace $0x80000046;
	[dreg:$0x1] =	wrdreg $0xFFFFFFFF  }
0xa7: {  	s28 =	simm.s32 $_size_execute0_lowered;
	s3 =	sadd.s32 s3, s5;
	[dreg:$0x0] =	wrdreg $0x0  }
0xa8: {  	s5 =	sshll.u32 s28, $0x1;
	[dreg:$0x2] =	wrdreg s3  }
0xa9: {  	[dreg:$0x3] =	wrdreg s5  }
0xaa: {  	[dreg:$0x4] =	wrdreg $0xC0  }
0xab: {  	_ =	task [dreg:s7], $0x5FFFF  }
0xac: {  	[dreg:$0x1] =	wrdreg $0xFFFFFFFF  }
0xad: {  	[dreg:$0x0] =	wrdreg $0x60  }
0xae: {  	[dreg:$0x2] =	wrdreg s24  }
0xaf: {  	[dreg:$0x3] =	wrdreg s2  }
0xb0: {  	[dreg:$0x4] =	wrdreg $0x0  }
0xb1: {  	[dreg:$0x5] =	wrdreg $0x9  }
0xb2: {  	_ =	task.clear_ibuf [dreg:s7], $0x6FFFF;
	_ =	strace $0x90000046  }
0xb3: {  	s29 =	simm.s32 $0x9;
	_ =	strace $0x80000048  }
0xb4: {  	_ =	swait.ge [sflag:s29], $0x1  }
0xb5: {  	[sflag:s29] =	ssyncadd.s32 $0xFFFFFFFF  }
0xb6: {  	_ =	strace $0x90000048  }
0xb7: {  	_ =	sfence  }
0xb8: {  	s30 =	sld [smem:$0x0];
	_ =	sdelay $0x2  }
0xb9: {  	s31 =	sshll.u32 s1, $0xD;
	s1 =	sshrl.u32 s1, $0x2  }
0xba: {  	s3 =	sand.u32 $0x4000, s31;
	s1 =	sadd.s32 s1, s30  }
0xbb: {  	s0 =	sor.u32 s3, s0;
	s1 =	sshll.u32 s1, $0x11  }
0xbc: {  	s0 =	sor.u32 s1, s0  }
0xbd: {  	s0 =	sadd.s32 $0x8F2B, s0  }
0xbe: {  	[sflag:s0] =	ssyncadd.remote.s32 $0x1  }
0xbf: {  	_ =	sfence.sel $0xFFFF  }
0xc0: {  	[dreg:$0x0] =	wrdreg $0xFFFFFFFF;
	(pc) =	sbr.abs _section_cstart, $3  }
0xc1: {  	[dreg:$0x1] =	wrdreg $0xFFFFFFFF  }
0xc2: {  	_ =	task.clear_ibuf [dreg:s7], $0x2FFFF;
	_ =	strace $0x9FFFFFFF  }
0xc3: {  	(tm) =	ssettm $0x7FFFFFFF  }
tec
execute0_lowered:
.L_overlay_start_1:
0x0: {  	(tag) =	ssettag $0x1  }
0x1: {  	s24 =	stileid.u32  }
0x2: {  	s0 =	srdreg.scid;
	s4 =	sor.u32 $0x10, s24  }
0x3: {  	s3 =	sand.u32 $0x1, s0;
	s7 =	smul.u32 $0xA000, s4  }
0x4: {  	s10 =	sor.u32 $0x20, s24;
	s9 =	smul.u32 $0x138800, s3  }
0x5: {  	s0 =	sshll.u32 s3, $0x4;
	s26 =	ssub.s32 $0x2, s3;
	s3 =	smul.u32 $0x2800, s4  }
0x6: {  	s5 =	rddreg [dreg:$0x0];
	s12 =	sor.u32 $0x30, s24;
	s4 =	smul.u32 $0x2800, s10  }
0x7: {  	s1 =	simm.s32 $0x0;
	s15 =	sor.u32 $0x40, s24;
	s18 =	smul.u32 $0x2800, s12  }
0x8: {  	[smem:$0x7FF] =	sst s1;
	s8 =	sadd.s32 $0x1E600, s5;
	s20 =	smul.u32 $0x2800, s15  }
0x9: {  	s16 =	sor.u32 $0x50, s24;
	s17 =	sor.u32 $0x60, s24;
	s10 =	smul.u32 $0xA000, s10  }
0xa: {  	s19 =	sor.u32 $0x70, s24;
	s12 =	smul.u32 $0xA000, s12;
	s0 =	sor.u32 s24, s0  }
0xb: {  	p0 =	sgt.u32 s24, $0xC;
	s2 =	sshrl.u32 s26, $0x1;
	s6 =	smul.u32 $0x4E2, s0  }
0xc: {  	s2 =	ssub.s32 s26, s2;
	s0 =	smul.u32 $0x2800, s24;
	s13 =	sadd.s32 s9, s3  }
0xd: {  	s21 =	sadd.s32 s9, s4;
	s14 =	sadd.s32 s9, s18;
	s25 =	sadd.s32 s9, s20  }
0xe: {  	s7 =	sshrl.u32 s7, $0x2;
	s10 =	sshrl.u32 s10, $0x2;
	s28 =	sshrl.u32 s13, $0x3  }
0xf: {  	s13 =	sshrl.u32 s21, $0x3;
	s14 =	sshrl.u32 s14, $0x3;
	s21 =	smul.u32 $0x2800, s16  }
0x10: {  	s2 =	smax.u32 s2, $0x1;
	s11 =	sadd.s32 s0, s9;
	s22 =	sadd.s32 s8, s13  }
0x11: {  	s23 =	sadd.s32 s8, s14;
	s11 =	sshrl.u32 s11, $0x3;
	[dreg:$0x6] =	wrdreg s22  }
0x12: {  	[dreg:$0x7] =	wrdreg s23;
	s26 =	sadd.s32 s9, s21;
	s22 =	smul.u32 $0x2800, s17  }
0x13: {  	s23 =	smul.u32 $0x2800, s19;
	s11 =	sadd.s32 s8, s11;
	s13 =	sshrl.u32 s26, $0x3  }
0x14: {  	[dreg:$0x4] =	wrdreg s11;
	s11 =	sadd.s32 s8, s28;
	s28 =	sadd.s32 s8, s13  }
0x15: {  	s13 =	sadd.s32 s9, s22;
	s14 =	sadd.s32 s9, s23;
	s9 =	rddreg [dreg:$0x1]  }
0x16: {  	s6 =	sadd.s32 s6, s5;
	[dreg:$0x5] =	wrdreg s11;
	s11 =	sshrl.u32 s25, $0x3  }
0x17: {  	[dreg:$0x9] =	wrdreg s28;
	s25 =	smul.u32 $0xA000, s24;
	s11 =	sadd.s32 s8, s11  }
0x18: {  	s28 =	smul.u32 $0xA000, s15;
	[dreg:$0x8] =	wrdreg s11;
	s11 =	sshrl.u32 s13, $0x3  }
0x19: {  	s15 =	smul.u32 $0xA000, s16;
	s13 =	sshrl.u32 s14, $0x3;
	s11 =	sadd.s32 s8, s11  }
0x1a: {  	s14 =	sadd.s32 $0x19600, s5;
	s8 =	sadd.s32 s8, s13;
	[dreg:$0xa] =	wrdreg s11  }
0x1b: {  	s13 =	sadd.s32 $0x14600, s5;
	s5 =	sshrl.u32 s28, $0x2;
	s11 =	rddreg [dreg:$0x2]  }
0x1c: {  	s28 =	smul.u32 $0xA000, s19;
	s19 =	sadd.s32 $0xA800, s6;
	[dreg:$0xb] =	wrdreg s8  }
0x1d: {  	s8 =	sshrl.u32 s25, $0x2;
	s25 =	smul.u32 $0xA000, s17;
	_ =	strace $0x80000047  }
0x1e: {  	s26 =	sadd.s32 s8, s11;
	s7 =	sadd.s32 s7, s11;
	s16 =	sadd.s32 s10, s11  }
0x1f: {  	s5 =	sadd.s32 s5, s11;
	s10 =	sshrl.u32 s15, $0x2;
	[dreg:$0x14] =	wrdreg s19  }
0x20: {  	s0 =	sadd.s32 s0, s11;
	s29 =	sadd.s32 s18, s11;
	s30 =	sadd.s32 s20, s11  }
0x21: {  	s31 =	sadd.s32 s21, s11;
	s18 =	simm.s32 $0x1E5A0;
	[dreg:$0xc] =	wrdreg s26  }
0x22: {  	s19 =	simm.s32 $0x2;
	s20 =	simm.s32 $0x3;
	[dreg:$0xd] =	wrdreg s7  }
0x23: {  	s21 =	simm.s32 $0x4;
	[dreg:$0xe] =	wrdreg s16;
	s26 =	sshrl.u32 s12, $0x2  }
0x24: {  	[dreg:$0x10] =	wrdreg s5;
	s5 =	sadd.s32 s10, s11;
	s15 =	sshrl.u32 s25, $0x2  }
0x25: {  	s16 =	sshrl.u32 s28, $0x2;
	s25 =	sadd.s32 $0xA00, s6;
	[dreg:$0x16] =	wrdreg s0  }
0x26: {  	s28 =	sadd.s32 s4, s11;
	s0 =	sadd.s32 s23, s11;
	[dreg:$0x11] =	wrdreg s5  }
0x27: {  	s4 =	simm.s32 $0x5;
	s6 =	simm.s32 $0x15F90;
	[dreg:$0x15] =	wrdreg s25  }
0x28: {  	s7 =	simm.s32 $0x50;
	s8 =	sadd.s32 s26, s11;
	[dreg:$0x18] =	wrdreg s28  }
0x29: {  	s10 =	simm.s32 $0x1D6A0;
	s5 =	sadd.s32 s15, s11;
	[dreg:$0xf] =	wrdreg s8  }
0x2a: {  	s12 =	simm.s32 $0x1E0A0;
	s17 =	sadd.s32 s16, s11;
	[dreg:$0x12] =	wrdreg s5  }
0x2b: {  	s26 =	sadd.s32 s3, s11;
	s3 =	simm.s32 $0x186A0;
	[dreg:$0x13] =	wrdreg s17  }
0x2c: {  	s15 =	simm.s32 $0x1;
	s16 =	simm.s32 $0x1AEA0;
	[dreg:$0x17] =	wrdreg s26  }
0x2d: {  	v0 =	vimm.f32 $0.0e+00;
	s8 =	sadd.s32 s22, s11;
	s17 =	simm.s32 $0x1DBA0;
	s22 =	simm.s32 $0x0  }
.LBB2_1:
0x2e: {  	s23 =	simm.s32 $0x0;
	s24 =	simm.s32 $0x200  }
.LBB2_2:
0x2f: {  	p1 =	sne.s32 s24, $0x9E00;
	[tilespmem:s23+$0x18710] =	vst v0  }
0x30: {  	[tilespmem:s23+$0x186A0] =	vst v0  }
0x31: {  	[tilespmem:s23+$0x186B0] =	vst v0  }
.Ltmp0:
0x32: {  	[tilespmem:s23+$0x186C0] =	vst v0;
	(pc) =	sbr.rel @p1 .LBB2_2-.Ltmp0, $4  }
0x33: {  	[tilespmem:s23+$0x186D0] =	vst v0  }
0x34: {  	[tilespmem:s23+$0x186E0] =	vst v0  }
0x35: {  	[tilespmem:s23+$0x186F0] =	vst v0  }
0x36: {  	[tilespmem:s23+$0x18700] =	vst v0;
	s23 =	sshra.s32 s24, $0x2;
	s24 =	sadd.s32 $0x200, s24  }
0x37: {  	[tilespmem:s23+$0x18710] =	vst v0  }
0x38: {  	[tilespmem:s23+$0x186A0] =	vst v0  }
0x39: {  	[tilespmem:s23+$0x186B0] =	vst v0  }
0x3a: {  	[tilespmem:s23+$0x186C0] =	vst v0  }
0x3b: {  	[tilespmem:s23+$0x186D0] =	vst v0  }
0x3c: {  	[tilespmem:s23+$0x186E0] =	vst v0  }
0x3d: {  	[tilespmem:s23+$0x186F0] =	vst v0  }
0x3e: {  	[tilespmem:s23+$0x18700] =	vst v0;
	s5 =	rddreg [dreg:$0xc]  }
0x3f: {  	[spmem:s5] =	stream.linear.scatter [tilespmem:s3], [sflag:$0x5], $0x2800, $0x38;
	[tilespmem:$0x1EAA0] =	vst v63  }
0x40: {  	_ =	swait.ge [sflag:s4], $0x2800  }
0x41: {  	[sflag:s4] =	ssyncset.done $0x0  }
0x42: {  	s25 =	rddreg [dreg:$0xd];
	[sflag:s4] =	ssyncadd.s32 $0xFFFFD800  }
0x43: {  	[spmem:s25] =	stream.linear.scatter [tilespmem:s3], [sflag:$0x5], $0x2800, $0x38;
	[tilespmem:$0x1EAA0] =	vst v63  }
0x44: {  	_ =	swait.ge [sflag:s4], $0x2800  }
0x45: {  	[sflag:s4] =	ssyncset.done $0x0  }
0x46: {  	s26 =	rddreg [dreg:$0xe];
	[sflag:s4] =	ssyncadd.s32 $0xFFFFD800  }
0x47: {  	[spmem:s26] =	stream.linear.scatter [tilespmem:s3], [sflag:$0x5], $0x2800, $0x38;
	[tilespmem:$0x1EAA0] =	vst v63  }
0x48: {  	_ =	swait.ge [sflag:s4], $0x2800  }
0x49: {  	[sflag:s4] =	ssyncset.done $0x0  }
0x4a: {  	s28 =	rddreg [dreg:$0xf];
	[sflag:s4] =	ssyncadd.s32 $0xFFFFD800  }
0x4b: {  	[spmem:s28] =	stream.linear.scatter [tilespmem:s3], [sflag:$0x5], $0x2800, $0x38;
	[tilespmem:$0x1EAA0] =	vst v63  }
0x4c: {  	_ =	swait.ge [sflag:s4], $0x2800  }
0x4d: {  	[sflag:s4] =	ssyncset.done $0x0  }
0x4e: {  	s23 =	rddreg [dreg:$0x10];
	[sflag:s4] =	ssyncadd.s32 $0xFFFFD800  }
0x4f: {  	[spmem:s23] =	stream.linear.scatter [tilespmem:s3], [sflag:$0x5], $0x2800, $0x38;
	[tilespmem:$0x1EAA0] =	vst v63  }
0x50: {  	_ =	swait.ge [sflag:s4], $0x2800  }
0x51: {  	[sflag:s4] =	ssyncset.done $0x0  }
0x52: {  	s24 =	rddreg [dreg:$0x11];
	[sflag:s4] =	ssyncadd.s32 $0xFFFFD800  }
0x53: {  	[spmem:s24] =	stream.linear.scatter [tilespmem:s3], [sflag:$0x5], $0x2800, $0x38;
	[tilespmem:$0x1EAA0] =	vst v63  }
0x54: {  	_ =	swait.ge [sflag:s4], $0x2800  }
0x55: {  	[sflag:s4] =	ssyncset.done $0x0  }
0x56: {  	s25 =	rddreg [dreg:$0x12];
	[sflag:s4] =	ssyncadd.s32 $0xFFFFD800  }
0x57: {  	[spmem:s25] =	stream.linear.scatter [tilespmem:s3], [sflag:$0x5], $0x2800, $0x38;
	[tilespmem:$0x1EAA0] =	vst v63  }
0x58: {  	_ =	swait.ge [sflag:s4], $0x2800  }
0x59: {  	[sflag:s4] =	ssyncset.done $0x0  }
0x5a: {  	s5 =	simm.s32 @!p0 $0x186A0;
	s23 =	rddreg [dreg:$0x13];
	[sflag:s4] =	ssyncadd.s32 $0xFFFFD800  }
0x5b: {  	[spmem:s23] =	stream.linear.scatter @!p0 [tilespmem:s5], [sflag:$0x5], $0x2800, $0x38;
	[tilespmem:$0x1EAA0] =	vst v63  }
0x5c: {  	s5 =	simm.s32 @!p0 $0x5  }
0x5d: {  	_ =	swait.ge @!p0 [sflag:s5], $0x2800  }
0x5e: {  	s24 =	simm.s32 $0x13880;
	[sflag:s5] =	ssyncset.done @!p0 $0x0  }
0x5f: {  	s23 =	simm.s32 $0x0;
	s26 =	rddreg [dreg:$0x14];
	[sflag:s5] =	ssyncadd.s32 @!p0 $0xFFFFD800  }
0x60: {  	[tilespmem:s24], [sflag:$0x5] =	stream.linear.gather [hbm4b:s26+s23], $0x2710, $0x38;
	[tilespmem:$0x1EAA0] =	vst v63  }
0x61: {  	_ =	swait.ge [sflag:s4], $0x2710  }
0x62: {  	[sflag:s4] =	ssyncset.done $0x0  }
0x63: {  	s28 =	rddreg [dreg:$0x15];
	[sflag:s4] =	ssyncadd.s32 $0xFFFFD8F0  }
0x64: {  	[tilespmem:s6], [sflag:$0x5] =	stream.linear.gather [hbm4b:s28+s23], $0x2710, $0x38;
	[tilespmem:$0x1EAA0] =	vst v63  }
0x65: {  	_ =	swait.ge [sflag:s4], $0x2710  }
0x66: {  	[sflag:s4] =	ssyncset.done $0x0  }
0x67: {  	[sflag:s4] =	ssyncadd.s32 $0xFFFFD8F0  }
0x68: {  	[tilespmem:s3], [sflag:$0x1] =	stream.indirect.gather [hbm4b:s9+s7], $0x80, s6, s7, $0xb8;
	[tilespmem:$0x1EAA0] =	vst v63  }
0x69: {  	_ = 	snop  }
0x6a: {  	[tilespmem:s10], [sflag:$0x1] =	stream.indirect.gather [hbm4b:s13+s7], $0x10, s24, s7, $0xb8;
	[tilespmem:$0x1EAA0] =	vst v63  }
0x6b: {  	_ = 	snop  }
0x6c: {  	[tilespmem:s12], [sflag:$0x1] =	stream.indirect.gather [hbm4b:s14+s7], $0x10, s6, s7, $0xb8;
	[tilespmem:$0x1EAA0] =	vst v63  }
0x6d: {  	[bflag:$0x0] =	sbarrier.arrive $0xFFFF  }
.LBB2_4:
0x6e: {  	_ =	swait.ge [sflag:s15], $0x2800  }
0x6f: {  	[sflag:s15] =	ssyncset.done $0x0  }
0x70: {  	[sflag:s15] =	ssyncadd.s32 $0xFFFFD800  }
0x71: {  	_ =	swait.ge [sflag:s15], $0x500  }
0x72: {  	[sflag:s15] =	ssyncset.done $0x0  }
0x73: {  	[sflag:s15] =	ssyncadd.s32 $0xFFFFFB00  }
0x74: {  	_ =	swait.ge [sflag:s15], $0x500  }
0x75: {  	p1 =	seq.s32 s23, $0x0;
	[sflag:s15] =	ssyncset.done $0x0  }
0x76: {  	s5 =	simm.s32 @!p1 $0x4;
	[sflag:s15] =	ssyncadd.s32 $0xFFFFFB00  }
0x77: {  	s25 =	smul.u32 $0xA0, s23;
	_ =	swait.ge @!p1 [sflag:s5], $0x2800  }
0x78: {  	[sflag:s5] =	ssyncset.done @!p1 $0x0  }
0x79: {  	s26 =	sadd.s32 $0x15FE0, s25;
	[sflag:s5] =	ssyncadd.s32 @!p1 $0xFFFFD800  }
0x7a: {  	[tilespmem:s16], [sflag:$0x2] =	stream.indirect.gather [hbm4b:s9+s7], $0x80, s26, s7, $0xb8;
	[tilespmem:$0x1EAA0] =	vst v63  }
0x7b: {  	s24 =	sadd.s32 $0x138D0, s25  }
0x7c: {  	[tilespmem:s17], [sflag:$0x2] =	stream.indirect.gather [hbm4b:s13+s7], $0x10, s24, s7, $0xb8;
	[tilespmem:$0x1EAA0] =	vst v63  }
0x7d: {  	_ = 	snop  }
0x7e: {  	[tilespmem:s18], [sflag:$0x2] =	stream.indirect.gather [hbm4b:s14+s7], $0x10, s26, s7, $0xb8;
	[tilespmem:$0x1EAA0] =	vst v63  }
0x7f: {  	s26 =	simm.s32 $0x0  }
0x80: {  	v1 =	vld [tilespmem:s26+$0x1E0A0]  }
0x81: {  	v2 =	vld [tilespmem:s26+$0x1D6A0];
	_ =	sdelay $0x3  }
0x82: {  	s26 =	simm.s32 $0x186E0  }
0x83: {  	v3 =	vld [tilespmem:s26+$0x30];
	v1 =	vadd.f32 v1, v2  }
0x84: {  	v2 =	vld [tilespmem:s26+$0x20]  }
0x85: {  	v4 =	vld [tilespmem:s26+$0x10];
	v5 =	vmul.f32 $2.000000030e-01, v1  }
0x86: {  	v62 =	vld [tilespmem:s26+$0xFFFFFFE0];
	vm0 =	vgt.f32 v1, $0.0e+00  }
0x87: {  	v6 =	vld [tilespmem:s26+$0x0];
	v1 =	vsel vm0, v1, v5  }
0x88: {  	v7 =	vld [tilespmem:s26+$0xFFFFFFF0];
	v3 =	vmul.f32 v3, v1  }
0x89: {  	v8 =	vld [tilespmem:s26+$0xFFFFFFD0];
	v2 =	vmul.f32 v2, v1  }
0x8a: {  	v9 =	vld [tilespmem:s26+$0xFFFFFFC0];
	v4 =	vmul.f32 v4, v1;
	[tilespmem:s26+$0x30] =	vst v3  }
0x8b: {  	v63 =	vmul.f32 v62, v1;
	[tilespmem:s26+$0x20] =	vst v2  }
0x8c: {  	v3 =	vmul.f32 v6, v1;
	[tilespmem:s26+$0x10] =	vst v4  }
0x8d: {  	v2 =	vmul.f32 v7, v1;
	[tilespmem:s26+$0xFFFFFFE0] =	vst v63  }
0x8e: {  	[tilespmem:s26+$0x0] =	vst v3;
	v3 =	vmul.f32 v1, v8  }
0x8f: {  	[tilespmem:s26+$0xFFFFFFF0] =	vst v2;
	v1 =	vmul.f32 v1, v9  }
0x90: {  	[tilespmem:s26+$0xFFFFFFD0] =	vst v3  }
0x91: {  	s5 =	simm.s32 $0x10;
	[tilespmem:s26+$0xFFFFFFC0] =	vst v1  }
0x92: {  	s28 =	simm.s32 $0x80;
	v1 =	vld [tilespmem:s5+$0x1E0A0]  }
.LBB2_5:
0x93: {  	p1 =	sne.s32 s28, $0x13C0;
	v2 =	vld [tilespmem:s5+$0x1D6A0];
	s26 =	sadd.s32 $0x80, s26  }
0x94: {  	v3 =	vld [tilespmem:s26+$0xFFFFFFF0]  }
0x95: {  	v4 =	vld [tilespmem:s26+$0x30]  }
0x96: {  	v5 =	vld [tilespmem:s26+$0x20]  }
0x97: {  	v6 =	vld [tilespmem:s26+$0x10]  }
0x98: {  	v1 =	vadd.f32 v1, v2;
	v2 =	vld [tilespmem:s26+$0x0]  }
0x99: {  	v7 =	vld [tilespmem:s26+$0xFFFFFFE0]  }
0x9a: {  	v8 =	vmul.f32 $2.000000030e-01, v1;
	v9 =	vld [tilespmem:s26+$0xFFFFFFD0]  }
0x9b: {  	vm0 =	vgt.f32 v1, $0.0e+00;
	v10 =	vld [tilespmem:s26+$0xFFFFFFC0]  }
0x9c: {  	v1 =	vsel vm0, v1, v8  }
0x9d: {  	v5 =	vmul.f32 v5, v1;
	v4 =	vmul.f32 v4, v1  }
0x9e: {  	v2 =	vmul.f32 v2, v1;
	v6 =	vmul.f32 v6, v1  }
0x9f: {  	v3 =	vmul.f32 v3, v1;
	v7 =	vmul.f32 v7, v1;
	[tilespmem:s26+$0x30] =	vst v4  }
0xa0: {  	v4 =	vmul.f32 v1, v10;
	v1 =	vmul.f32 v1, v9;
	[tilespmem:s26+$0x20] =	vst v5  }
0xa1: {  	[tilespmem:s26+$0x10] =	vst v6  }
0xa2: {  	[tilespmem:s26+$0x0] =	vst v2  }
.Ltmp1:
0xa3: {  	[tilespmem:s26+$0xFFFFFFF0] =	vst v3;
	(pc) =	sbr.rel @p1 .LBB2_5-.Ltmp1, $4  }
0xa4: {  	[tilespmem:s26+$0xFFFFFFE0] =	vst v7  }
0xa5: {  	[tilespmem:s26+$0xFFFFFFD0] =	vst v1  }
0xa6: {  	s5 =	sshra.s32 s28, $0x2;
	[tilespmem:s26+$0xFFFFFFC0] =	vst v4  }
0xa7: {  	s28 =	sadd.s32 $0x40, s28;
	v1 =	vld [tilespmem:s5+$0x1E0A0]  }
0xa8: {  	v2 =	vld [tilespmem:s5+$0x1D6A0];
	_ =	sdelay $0x3  }
0xa9: {  	s5 =	sadd.s32 $0x80, s26  }
0xaa: {  	v3 =	vld [tilespmem:s5+$0x30];
	v1 =	vadd.f32 v1, v2  }
0xab: {  	v2 =	vld [tilespmem:s5+$0x20]  }
0xac: {  	v4 =	vld [tilespmem:s5+$0x10];
	v5 =	vmul.f32 $2.000000030e-01, v1  }
0xad: {  	v54 =	vld [tilespmem:s5+$0xFFFFFFE0];
	vm0 =	vgt.f32 v1, $0.0e+00  }
0xae: {  	v6 =	vld [tilespmem:s5+$0x0];
	v1 =	vsel vm0, v1, v5  }
0xaf: {  	v7 =	vld [tilespmem:s5+$0xFFFFFFF0];
	v3 =	vmul.f32 v3, v1  }
0xb0: {  	v8 =	vld [tilespmem:s5+$0xFFFFFFD0];
	v2 =	vmul.f32 v2, v1  }
0xb1: {  	v9 =	vld [tilespmem:s5+$0xFFFFFFC0];
	v4 =	vmul.f32 v4, v1;
	[tilespmem:s5+$0x30] =	vst v3  }
0xb2: {  	v55 =	vmul.f32 v54, v1;
	[tilespmem:s5+$0x20] =	vst v2  }
0xb3: {  	v3 =	vmul.f32 v6, v1;
	[tilespmem:s5+$0x10] =	vst v4  }
0xb4: {  	v2 =	vmul.f32 v7, v1;
	[tilespmem:s5+$0xFFFFFFE0] =	vst v55  }
0xb5: {  	s28 =	smul.u32 $0x280, s23;
	[tilespmem:s5+$0x0] =	vst v3;
	v3 =	vmul.f32 v1, v8  }
0xb6: {  	[tilespmem:s5+$0xFFFFFFF0] =	vst v2;
	v1 =	vmul.f32 v1, v9  }
0xb7: {  	s26 =	sshra.s32 s28, $0x2;
	[tilespmem:s5+$0xFFFFFFD0] =	vst v3  }
0xb8: {  	s26 =	sadd.s32 $0x13880, s26;
	[tilespmem:s5+$0xFFFFFFC0] =	vst v1  }
0xb9: {  	[spmem:s11] =	stream.indirect.scatter.add.f32 [tilespmem:s3], [sflag:$0x3], $0x80, s26, s7, $0xb8;
	[tilespmem:$0x1EAA0] =	vst v63  }
0xba: {  	_ =	swait.ge [sflag:s19], $0x2800  }
0xbb: {  	[sflag:s19] =	ssyncset.done $0x0  }
0xbc: {  	[sflag:s19] =	ssyncadd.s32 $0xFFFFD800  }
0xbd: {  	_ =	swait.ge [sflag:s19], $0x500  }
0xbe: {  	[sflag:s19] =	ssyncset.done $0x0  }
0xbf: {  	[sflag:s19] =	ssyncadd.s32 $0xFFFFFB00  }
0xc0: {  	_ =	swait.ge [sflag:s19], $0x500  }
0xc1: {  	[sflag:s19] =	ssyncset.done $0x0  }
0xc2: {  	[sflag:s19] =	ssyncadd.s32 $0xFFFFFB00  }
0xc3: {  	_ =	swait.ge [sflag:s20], $0x2800  }
0xc4: {  	[sflag:s20] =	ssyncset.done $0x0  }
0xc5: {  	s28 =	sadd.s32 $0x16030, s25;
	[sflag:s20] =	ssyncadd.s32 $0xFFFFD800  }
0xc6: {  	[tilespmem:s3], [sflag:$0x1] =	stream.indirect.gather [hbm4b:s9+s7], $0x80, s28, s7, $0xb8;
	[tilespmem:$0x1EAA0] =	vst v63  }
0xc7: {  	s26 =	sadd.s32 $0x13920, s25  }
0xc8: {  	[tilespmem:s10], [sflag:$0x1] =	stream.indirect.gather [hbm4b:s13+s7], $0x10, s26, s7, $0xb8;
	[tilespmem:$0x1EAA0] =	vst v63  }
0xc9: {  	_ = 	snop  }
0xca: {  	[tilespmem:s12], [sflag:$0x1] =	stream.indirect.gather [hbm4b:s14+s7], $0x10, s28, s7, $0xb8;
	[tilespmem:$0x1EAA0] =	vst v63  }
0xcb: {  	s28 =	simm.s32 $0x0  }
0xcc: {  	v1 =	vld [tilespmem:s28+$0x1E5A0]  }
0xcd: {  	v2 =	vld [tilespmem:s28+$0x1DBA0];
	_ =	sdelay $0x3  }
0xce: {  	s25 =	simm.s32 $0x1AEE0  }
0xcf: {  	v3 =	vld [tilespmem:s25+$0x30];
	v1 =	vadd.f32 v1, v2  }
0xd0: {  	v2 =	vld [tilespmem:s25+$0x20]  }
0xd1: {  	v56 =	vld [tilespmem:s25+$0x10];
	v57 =	vmul.f32 $2.000000030e-01, v1  }
0xd2: {  	v60 =	vld [tilespmem:s25+$0xFFFFFFE0];
	vm15 =	vgt.f32 v1, $0.0e+00  }
0xd3: {  	v58 =	vld [tilespmem:s25+$0x0];
	v1 =	vsel vm15, v1, v57  }
0xd4: {  	v59 =	vld [tilespmem:s25+$0xFFFFFFF0];
	v3 =	vmul.f32 v3, v1  }
0xd5: {  	v61 =	vld [tilespmem:s25+$0xFFFFFFD0];
	v2 =	vmul.f32 v2, v1  }
0xd6: {  	v62 =	vld [tilespmem:s25+$0xFFFFFFC0];
	v4 =	vmul.f32 v56, v1;
	[tilespmem:s25+$0x30] =	vst v3  }
0xd7: {  	v63 =	vmul.f32 v60, v1;
	[tilespmem:s25+$0x20] =	vst v2  }
0xd8: {  	v3 =	vmul.f32 v58, v1;
	[tilespmem:s25+$0x10] =	vst v4  }
0xd9: {  	v2 =	vmul.f32 v59, v1;
	[tilespmem:s25+$0xFFFFFFE0] =	vst v63  }
0xda: {  	[tilespmem:s25+$0x0] =	vst v3;
	v3 =	vmul.f32 v1, v61  }
0xdb: {  	[tilespmem:s25+$0xFFFFFFF0] =	vst v2;
	v1 =	vmul.f32 v1, v62  }
0xdc: {  	[tilespmem:s25+$0xFFFFFFD0] =	vst v3  }
0xdd: {  	s5 =	simm.s32 $0x10;
	[tilespmem:s25+$0xFFFFFFC0] =	vst v1  }
0xde: {  	s26 =	simm.s32 $0x80;
	v1 =	vld [tilespmem:s5+$0x1E5A0]  }
.LBB2_7:
0xdf: {  	p1 =	sne.s32 s26, $0x13C0;
	v2 =	vld [tilespmem:s5+$0x1DBA0];
	s25 =	sadd.s32 $0x80, s25  }
0xe0: {  	v3 =	vld [tilespmem:s25+$0xFFFFFFF0]  }
0xe1: {  	v4 =	vld [tilespmem:s25+$0x30]  }
0xe2: {  	v5 =	vld [tilespmem:s25+$0x20]  }
0xe3: {  	v6 =	vld [tilespmem:s25+$0x10]  }
0xe4: {  	v1 =	vadd.f32 v1, v2;
	v2 =	vld [tilespmem:s25+$0x0]  }
0xe5: {  	v7 =	vld [tilespmem:s25+$0xFFFFFFE0]  }
0xe6: {  	v8 =	vmul.f32 $2.000000030e-01, v1;
	v9 =	vld [tilespmem:s25+$0xFFFFFFD0]  }
0xe7: {  	vm0 =	vgt.f32 v1, $0.0e+00;
	v10 =	vld [tilespmem:s25+$0xFFFFFFC0]  }
0xe8: {  	v1 =	vsel vm0, v1, v8  }
0xe9: {  	v5 =	vmul.f32 v5, v1;
	v4 =	vmul.f32 v4, v1  }
0xea: {  	v2 =	vmul.f32 v2, v1;
	v6 =	vmul.f32 v6, v1  }
0xeb: {  	v3 =	vmul.f32 v3, v1;
	v7 =	vmul.f32 v7, v1;
	[tilespmem:s25+$0x30] =	vst v4  }
0xec: {  	v4 =	vmul.f32 v1, v10;
	v1 =	vmul.f32 v1, v9;
	[tilespmem:s25+$0x20] =	vst v5  }
0xed: {  	[tilespmem:s25+$0x10] =	vst v6  }
0xee: {  	[tilespmem:s25+$0x0] =	vst v2  }
.Ltmp2:
0xef: {  	[tilespmem:s25+$0xFFFFFFF0] =	vst v3;
	(pc) =	sbr.rel @p1 .LBB2_7-.Ltmp2, $4  }
0xf0: {  	[tilespmem:s25+$0xFFFFFFE0] =	vst v7  }
0xf1: {  	[tilespmem:s25+$0xFFFFFFD0] =	vst v1  }
0xf2: {  	s5 =	sshra.s32 s26, $0x2;
	[tilespmem:s25+$0xFFFFFFC0] =	vst v4  }
0xf3: {  	s26 =	sadd.s32 $0x40, s26;
	v1 =	vld [tilespmem:s5+$0x1E5A0]  }
0xf4: {  	v2 =	vld [tilespmem:s5+$0x1DBA0];
	_ =	sdelay $0x3  }
0xf5: {  	s28 =	sadd.s32 $0x80, s25  }
0xf6: {  	v3 =	vld [tilespmem:s28+$0x30];
	v1 =	vadd.f32 v1, v2  }
0xf7: {  	v2 =	vld [tilespmem:s28+$0x20]  }
0xf8: {  	v4 =	vld [tilespmem:s28+$0x10];
	v5 =	vmul.f32 $2.000000030e-01, v1  }
0xf9: {  	v62 =	vld [tilespmem:s28+$0xFFFFFFE0];
	vm0 =	vgt.f32 v1, $0.0e+00  }
0xfa: {  	v6 =	vld [tilespmem:s28+$0x0];
	v1 =	vsel vm0, v1, v5  }
0xfb: {  	v7 =	vld [tilespmem:s28+$0xFFFFFFF0];
	v3 =	vmul.f32 v3, v1  }
0xfc: {  	v8 =	vld [tilespmem:s28+$0xFFFFFFD0];
	v2 =	vmul.f32 v2, v1  }
0xfd: {  	v9 =	vld [tilespmem:s28+$0xFFFFFFC0];
	v4 =	vmul.f32 v4, v1;
	[tilespmem:s28+$0x30] =	vst v3  }
0xfe: {  	v63 =	vmul.f32 v62, v1;
	[tilespmem:s28+$0x20] =	vst v2  }
0xff: {  	s23 =	sadd.s32 $0x1, s23;
	v3 =	vmul.f32 v6, v1;
	[tilespmem:s28+$0x10] =	vst v4  }
0x100: {  	p1 =	sne.s32 s23, $0x3E;
	v2 =	vmul.f32 v7, v1;
	[tilespmem:s28+$0xFFFFFFE0] =	vst v63  }
.Ltmp3:
0x101: {  	[tilespmem:s28+$0x0] =	vst v3;
	v3 =	vmul.f32 v1, v8;
	(pc) =	sbr.rel @p1 .LBB2_4-.Ltmp3, $4  }
0x102: {  	[tilespmem:s28+$0xFFFFFFF0] =	vst v2;
	v1 =	vmul.f32 v1, v9  }
0x103: {  	[tilespmem:s28+$0xFFFFFFD0] =	vst v3  }
0x104: {  	[tilespmem:s28+$0xFFFFFFC0] =	vst v1  }
0x105: {  	[spmem:s11] =	stream.indirect.scatter.add.f32 [tilespmem:s16], [sflag:$0x4], $0x80, s24, s7, $0xb8;
	[tilespmem:$0x1EAA0] =	vst v63  }
0x106: {  	_ =	swait.ge [sflag:s15], $0x2800  }
0x107: {  	[sflag:s15] =	ssyncset.done $0x0  }
0x108: {  	[sflag:s15] =	ssyncadd.s32 $0xFFFFD800  }
0x109: {  	_ =	swait.ge [sflag:s15], $0x500  }
0x10a: {  	[sflag:s15] =	ssyncset.done $0x0  }
0x10b: {  	[sflag:s15] =	ssyncadd.s32 $0xFFFFFB00  }
0x10c: {  	_ =	swait.ge [sflag:s15], $0x500  }
0x10d: {  	[sflag:s15] =	ssyncset.done $0x0  }
0x10e: {  	[sflag:s15] =	ssyncadd.s32 $0xFFFFFB00  }
0x10f: {  	_ =	swait.ge [sflag:s21], $0x2800  }
0x110: {  	[sflag:s21] =	ssyncset.done $0x0  }
0x111: {  	s5 =	simm.s32 $0x0;
	[sflag:s21] =	ssyncadd.s32 $0xFFFFD800  }
0x112: {  	v1 =	vld [tilespmem:s5+$0x1E0A0]  }
0x113: {  	v2 =	vld [tilespmem:s5+$0x1D6A0];
	_ =	sdelay $0x3  }
0x114: {  	s23 =	simm.s32 $0x186E0  }
0x115: {  	v3 =	vld [tilespmem:s23+$0x30];
	v1 =	vadd.f32 v1, v2  }
0x116: {  	v2 =	vld [tilespmem:s23+$0x20]  }
0x117: {  	v4 =	vld [tilespmem:s23+$0x10];
	v5 =	vmul.f32 $2.000000030e-01, v1  }
0x118: {  	v62 =	vld [tilespmem:s23+$0xFFFFFFE0];
	vm0 =	vgt.f32 v1, $0.0e+00  }
0x119: {  	v6 =	vld [tilespmem:s23+$0x0];
	v1 =	vsel vm0, v1, v5  }
0x11a: {  	v7 =	vld [tilespmem:s23+$0xFFFFFFF0];
	v3 =	vmul.f32 v3, v1  }
0x11b: {  	v8 =	vld [tilespmem:s23+$0xFFFFFFD0];
	v2 =	vmul.f32 v2, v1  }
0x11c: {  	v9 =	vld [tilespmem:s23+$0xFFFFFFC0];
	v4 =	vmul.f32 v4, v1;
	[tilespmem:s23+$0x30] =	vst v3  }
0x11d: {  	v63 =	vmul.f32 v62, v1;
	[tilespmem:s23+$0x20] =	vst v2  }
0x11e: {  	v3 =	vmul.f32 v6, v1;
	[tilespmem:s23+$0x10] =	vst v4  }
0x11f: {  	v2 =	vmul.f32 v7, v1;
	[tilespmem:s23+$0xFFFFFFE0] =	vst v63  }
0x120: {  	[tilespmem:s23+$0x0] =	vst v3;
	v3 =	vmul.f32 v1, v8  }
0x121: {  	[tilespmem:s23+$0xFFFFFFF0] =	vst v2;
	v1 =	vmul.f32 v1, v9  }
0x122: {  	[tilespmem:s23+$0xFFFFFFD0] =	vst v3  }
0x123: {  	s5 =	simm.s32 $0x10;
	[tilespmem:s23+$0xFFFFFFC0] =	vst v1  }
0x124: {  	s24 =	simm.s32 $0x80;
	v1 =	vld [tilespmem:s5+$0x1E0A0]  }
.LBB2_10:
0x125: {  	p1 =	sne.s32 s24, $0x13C0;
	v2 =	vld [tilespmem:s5+$0x1D6A0];
	s23 =	sadd.s32 $0x80, s23  }
0x126: {  	v3 =	vld [tilespmem:s23+$0xFFFFFFF0]  }
0x127: {  	v4 =	vld [tilespmem:s23+$0x30]  }
0x128: {  	v5 =	vld [tilespmem:s23+$0x20]  }
0x129: {  	v6 =	vld [tilespmem:s23+$0x10]  }
0x12a: {  	v1 =	vadd.f32 v1, v2;
	v2 =	vld [tilespmem:s23+$0x0]  }
0x12b: {  	v7 =	vld [tilespmem:s23+$0xFFFFFFE0]  }
0x12c: {  	v8 =	vmul.f32 $2.000000030e-01, v1;
	v9 =	vld [tilespmem:s23+$0xFFFFFFD0]  }
0x12d: {  	vm0 =	vgt.f32 v1, $0.0e+00;
	v10 =	vld [tilespmem:s23+$0xFFFFFFC0]  }
0x12e: {  	v1 =	vsel vm0, v1, v8  }
0x12f: {  	v5 =	vmul.f32 v5, v1;
	v4 =	vmul.f32 v4, v1  }
0x130: {  	v2 =	vmul.f32 v2, v1;
	v6 =	vmul.f32 v6, v1  }
0x131: {  	v3 =	vmul.f32 v3, v1;
	v7 =	vmul.f32 v7, v1;
	[tilespmem:s23+$0x30] =	vst v4  }
0x132: {  	v4 =	vmul.f32 v1, v10;
	v1 =	vmul.f32 v1, v9;
	[tilespmem:s23+$0x20] =	vst v5  }
0x133: {  	[tilespmem:s23+$0x10] =	vst v6  }
0x134: {  	[tilespmem:s23+$0x0] =	vst v2  }
.Ltmp4:
0x135: {  	[tilespmem:s23+$0xFFFFFFF0] =	vst v3;
	(pc) =	sbr.rel @p1 .LBB2_10-.Ltmp4, $4  }
0x136: {  	[tilespmem:s23+$0xFFFFFFE0] =	vst v7  }
0x137: {  	[tilespmem:s23+$0xFFFFFFD0] =	vst v1  }
0x138: {  	s5 =	sshra.s32 s24, $0x2;
	[tilespmem:s23+$0xFFFFFFC0] =	vst v4  }
0x139: {  	s24 =	sadd.s32 $0x40, s24;
	v1 =	vld [tilespmem:s5+$0x1E0A0]  }
0x13a: {  	v2 =	vld [tilespmem:s5+$0x1D6A0];
	_ =	sdelay $0x3  }
0x13b: {  	s26 =	sadd.s32 $0x80, s23  }
0x13c: {  	v3 =	vld [tilespmem:s26+$0x30];
	v1 =	vadd.f32 v1, v2  }
0x13d: {  	v2 =	vld [tilespmem:s26+$0x20]  }
0x13e: {  	v4 =	vld [tilespmem:s26+$0x10];
	v5 =	vmul.f32 $2.000000030e-01, v1  }
0x13f: {  	v62 =	vld [tilespmem:s26+$0xFFFFFFE0];
	vm0 =	vgt.f32 v1, $0.0e+00  }
0x140: {  	v6 =	vld [tilespmem:s26+$0x0];
	v1 =	vsel vm0, v1, v5  }
0x141: {  	v7 =	vld [tilespmem:s26+$0xFFFFFFF0];
	v3 =	vmul.f32 v3, v1  }
0x142: {  	v8 =	vld [tilespmem:s26+$0xFFFFFFD0];
	v2 =	vmul.f32 v2, v1  }
0x143: {  	v9 =	vld [tilespmem:s26+$0xFFFFFFC0];
	v4 =	vmul.f32 v4, v1;
	[tilespmem:s26+$0x30] =	vst v3  }
0x144: {  	v63 =	vmul.f32 v62, v1;
	[tilespmem:s26+$0x20] =	vst v2  }
0x145: {  	v3 =	vmul.f32 v6, v1;
	[tilespmem:s26+$0x10] =	vst v4  }
0x146: {  	v2 =	vmul.f32 v7, v1;
	[tilespmem:s26+$0xFFFFFFE0] =	vst v63  }
0x147: {  	[tilespmem:s26+$0x0] =	vst v3;
	v3 =	vmul.f32 v1, v8  }
0x148: {  	[tilespmem:s26+$0xFFFFFFF0] =	vst v2;
	v1 =	vmul.f32 v1, v9  }
0x149: {  	[tilespmem:s26+$0xFFFFFFD0] =	vst v3  }
0x14a: {  	s28 =	simm.s32 $0x15F40;
	[tilespmem:s26+$0xFFFFFFC0] =	vst v1  }
0x14b: {  	[spmem:s11] =	stream.indirect.scatter.add.f32 [tilespmem:s3], [sflag:$0x3], $0x80, s28, s7, $0xb8;
	[tilespmem:$0x1EAA0] =	vst v63  }
0x14c: {  	_ =	swait.ge [sflag:s20], $0x2800  }
0x14d: {  	[sflag:s20] =	ssyncset.done $0x0  }
0x14e: {  	[sflag:s20] =	ssyncadd.s32 $0xFFFFD800  }
0x14f: {  	[bflag:$0x0] =	sbarrier.arrive $0xFFFF  }
0x150: {  	s23 =	rddreg [dreg:$0x16]  }
0x151: {  	[tilespmem:s3], [sflag:$0x5] =	stream.linear.gather [spmem:s23], $0x2800, $0x38;
	[tilespmem:$0x1EAA0] =	vst v63  }
0x152: {  	_ =	swait.ge [sflag:s4], $0x2800  }
0x153: {  	[sflag:s4] =	ssyncset.done $0x0  }
0x154: {  	s24 =	rddreg [dreg:$0x4];
	[sflag:s4] =	ssyncadd.s32 $0xFFFFD800  }
0x155: {  	[hbm4b:s24+s1] =	stream.linear.scatter [tilespmem:s3], [sflag:$0x5], $0x2800, $0x38;
	[tilespmem:$0x1EAA0] =	vst v63  }
0x156: {  	_ =	swait.ge [sflag:s4], $0x2800  }
0x157: {  	[sflag:s4] =	ssyncset.done $0x0  }
0x158: {  	s25 =	rddreg [dreg:$0x17];
	[sflag:s4] =	ssyncadd.s32 $0xFFFFD800  }
0x159: {  	[tilespmem:s3], [sflag:$0x5] =	stream.linear.gather [spmem:s25], $0x2800, $0x38;
	[tilespmem:$0x1EAA0] =	vst v63  }
0x15a: {  	_ =	swait.ge [sflag:s4], $0x2800  }
0x15b: {  	[sflag:s4] =	ssyncset.done $0x0  }
0x15c: {  	s26 =	rddreg [dreg:$0x5];
	[sflag:s4] =	ssyncadd.s32 $0xFFFFD800  }
0x15d: {  	[hbm4b:s26+s1] =	stream.linear.scatter [tilespmem:s3], [sflag:$0x5], $0x2800, $0x38;
	[tilespmem:$0x1EAA0] =	vst v63  }
0x15e: {  	_ =	swait.ge [sflag:s4], $0x2800  }
0x15f: {  	[sflag:s4] =	ssyncset.done $0x0  }
0x160: {  	s28 =	rddreg [dreg:$0x18];
	[sflag:s4] =	ssyncadd.s32 $0xFFFFD800  }
0x161: {  	[tilespmem:s3], [sflag:$0x5] =	stream.linear.gather [spmem:s28], $0x2800, $0x38;
	[tilespmem:$0x1EAA0] =	vst v63  }
0x162: {  	_ =	swait.ge [sflag:s4], $0x2800  }
0x163: {  	[sflag:s4] =	ssyncset.done $0x0  }
0x164: {  	s23 =	rddreg [dreg:$0x6];
	[sflag:s4] =	ssyncadd.s32 $0xFFFFD800  }
0x165: {  	[hbm4b:s23+s1] =	stream.linear.scatter [tilespmem:s3], [sflag:$0x5], $0x2800, $0x38;
	[tilespmem:$0x1EAA0] =	vst v63  }
0x166: {  	_ =	swait.ge [sflag:s4], $0x2800  }
0x167: {  	[sflag:s4] =	ssyncset.done $0x0  }
0x168: {  	[sflag:s4] =	ssyncadd.s32 $0xFFFFD800  }
0x169: {  	[tilespmem:s3], [sflag:$0x5] =	stream.linear.gather [spmem:s29], $0x2800, $0x38;
	[tilespmem:$0x1EAA0] =	vst v63  }
0x16a: {  	_ =	swait.ge [sflag:s4], $0x2800  }
0x16b: {  	[sflag:s4] =	ssyncset.done $0x0  }
0x16c: {  	s24 =	rddreg [dreg:$0x7];
	[sflag:s4] =	ssyncadd.s32 $0xFFFFD800  }
0x16d: {  	[hbm4b:s24+s1] =	stream.linear.scatter [tilespmem:s3], [sflag:$0x5], $0x2800, $0x38;
	[tilespmem:$0x1EAA0] =	vst v63  }
0x16e: {  	_ =	swait.ge [sflag:s4], $0x2800  }
0x16f: {  	[sflag:s4] =	ssyncset.done $0x0  }
0x170: {  	[sflag:s4] =	ssyncadd.s32 $0xFFFFD800  }
0x171: {  	[tilespmem:s3], [sflag:$0x5] =	stream.linear.gather [spmem:s30], $0x2800, $0x38;
	[tilespmem:$0x1EAA0] =	vst v63  }
0x172: {  	_ =	swait.ge [sflag:s4], $0x2800  }
0x173: {  	[sflag:s4] =	ssyncset.done $0x0  }
0x174: {  	s25 =	rddreg [dreg:$0x8];
	[sflag:s4] =	ssyncadd.s32 $0xFFFFD800  }
0x175: {  	[hbm4b:s25+s1] =	stream.linear.scatter [tilespmem:s3], [sflag:$0x5], $0x2800, $0x38;
	[tilespmem:$0x1EAA0] =	vst v63  }
0x176: {  	_ =	swait.ge [sflag:s4], $0x2800  }
0x177: {  	[sflag:s4] =	ssyncset.done $0x0  }
0x178: {  	[sflag:s4] =	ssyncadd.s32 $0xFFFFD800  }
0x179: {  	[tilespmem:s3], [sflag:$0x5] =	stream.linear.gather [spmem:s31], $0x2800, $0x38;
	[tilespmem:$0x1EAA0] =	vst v63  }
0x17a: {  	_ =	swait.ge [sflag:s4], $0x2800  }
0x17b: {  	[sflag:s4] =	ssyncset.done $0x0  }
0x17c: {  	s26 =	rddreg [dreg:$0x9];
	[sflag:s4] =	ssyncadd.s32 $0xFFFFD800  }
0x17d: {  	[hbm4b:s26+s1] =	stream.linear.scatter [tilespmem:s3], [sflag:$0x5], $0x2800, $0x38;
	[tilespmem:$0x1EAA0] =	vst v63  }
0x17e: {  	_ =	swait.ge [sflag:s4], $0x2800  }
0x17f: {  	[sflag:s4] =	ssyncset.done $0x0  }
0x180: {  	[sflag:s4] =	ssyncadd.s32 $0xFFFFD800  }
0x181: {  	[tilespmem:s3], [sflag:$0x5] =	stream.linear.gather [spmem:s8], $0x2800, $0x38;
	[tilespmem:$0x1EAA0] =	vst v63  }
0x182: {  	_ =	swait.ge [sflag:s4], $0x2800  }
0x183: {  	[sflag:s4] =	ssyncset.done $0x0  }
0x184: {  	s28 =	rddreg [dreg:$0xa];
	[sflag:s4] =	ssyncadd.s32 $0xFFFFD800  }
0x185: {  	[hbm4b:s28+s1] =	stream.linear.scatter [tilespmem:s3], [sflag:$0x5], $0x2800, $0x38;
	[tilespmem:$0x1EAA0] =	vst v63  }
0x186: {  	_ =	swait.ge [sflag:s4], $0x2800  }
0x187: {  	[sflag:s4] =	ssyncset.done $0x0  }
0x188: {  	s5 =	simm.s32 @!p0 $0x186A0;
	s23 =	simm.s32 @!p0 $0x5;
	[sflag:s4] =	ssyncadd.s32 $0xFFFFD800  }
0x189: {  	[tilespmem:s5], [sflag:$0x5] =	stream.linear.gather @!p0 [spmem:s0], $0x2800, $0x38;
	[tilespmem:$0x1EAA0] =	vst v63  }
0x18a: {  	s22 =	sadd.s32 $0x1, s22;
	_ =	swait.ge @!p0 [sflag:s23], $0x2800  }
0x18b: {  	p1 =	sne.s32 s22, s2;
	s24 =	simm.s32 @!p0 $0x0;
	[sflag:s23] =	ssyncset.done @!p0 $0x0  }
.Ltmp5:
0x18c: {  	s25 =	rddreg [dreg:$0xb];
	[sflag:s23] =	ssyncadd.s32 @!p0 $0xFFFFD800;
	(pc) =	sbr.rel @p1 .LBB2_1-.Ltmp5, $4  }
0x18d: {  	[hbm4b:s25+s24] =	stream.linear.scatter @!p0 [tilespmem:s5], [sflag:$0x5], $0x2800, $0x38;
	[tilespmem:$0x1EAA0] =	vst v63  }
0x18e: {  	_ =	swait.ge @!p0 [sflag:s23], $0x2800  }
0x18f: {  	[sflag:s23] =	ssyncset.done @!p0 $0x0  }
0x190: {  	[sflag:s23] =	ssyncadd.s32 @!p0 $0xFFFFD800  }
0x191: {  	_ =	sfence.sel $0x180000  }
0x192: {  	[bflag:$0x0] =	sbarrier.arrive $0xFFFF  }
0x193: {  	_ =	strace $0x90000047  }
0x194: {  	s0 =	stileid.u32;
	[bflag:$0x2] =	sbarrier.arrive $0xFFFF  }
0x195: {  	p0 =	sne.s32 s0, $0x0;
	s0 =	rddreg [dreg:$0x3]  }
0x196: {  	s0 =	sadd.s32 @!p0 $0x100000, s0  }
0x197: {  	[sflag:s0] =	ssyncadd.tile.s32 @!p0 $0x1;
	_ =	shalt  }
.Lfunc_end2:
_tile_overlayer_lowered:
.L_overlay_start_2:
0x198: {  	(tag) =	ssettag $0x2  }
0x199: {  	s0 =	rddreg [dreg:$0x0];
	s2 =	stileid.u32  }
0x19a: {  	s1 =	rddreg [dreg:$0x1];
	p0 =	sne.s32 s2, $0x0  }
0x19b: {  	s3 =	rddreg [dreg:$0x2];
	[bflag:$0x3] =	sbarrier.arrive $0xFFFF;
	s2 =	simm.s32 @!p0 $0x1C05  }
0x19c: {  	[timem:s3], [sflag:s2] =	dma.local @!p0 [hbm:s0], s1  }
0x19d: {  	s0 =	simm.s32 @!p0 $0x5  }
0x19e: {  	_ =	swait.ge @!p0 [sflag:s0], s1  }
0x19f: {  	s1 =	ssub.s32 @!p0 $0x0, s1;
	[sflag:s0] =	ssyncset.done @!p0 $0x0  }
0x1a0: {  	[sflag:s0] =	ssyncadd.s32 @!p0 s1  }
0x1a1: {  	[bflag:$0x3] =	sbarrier.arrive $0xFFFF  }
0x1a2: {  	_ =	shalt  }

</sc_bundles>
